<compile_context>
chip_gen: v7x
topology: tpu7x:2x2x1
jax: 0.10.2.dev20260603
libtpu: 0.0.44.dev20260713+nightly
codegen_flags: <defaults>
</compile_context>

<pallas_src>
import jax, jax.numpy as jnp
from jax.experimental import pallas as pl

N = 10000


def _matmul_pallas(a, w):
    def body(a_ref, w_ref, o_ref):
        o_ref[...] = jnp.dot(a_ref[...], w_ref[...],
                             preferred_element_type=jnp.float32)
    return pl.pallas_call(
        body,
        out_shape=jax.ShapeDtypeStruct((a.shape[0], w.shape[1]), jnp.float32),
    )(a, w)


def _dinv_pallas(deg):
    d2 = deg.reshape(1, N)
    def body(d_ref, o_ref):
        d = d_ref[...]
        o_ref[...] = jnp.where(d > 0, jax.lax.rsqrt(d), 0.0)
    return pl.pallas_call(
        body,
        out_shape=jax.ShapeDtypeStruct((1, N), jnp.float32),
    )(d2).reshape(N)


def _scale_rows_pallas(rows, scale):
    M, Hh = rows.shape
    BLK = 6600
    grid = M // BLK
    def body(r_ref, s_ref, o_ref):
        o_ref[...] = r_ref[...] * s_ref[...]
    return pl.pallas_call(
        body,
        grid=(grid,),
        in_specs=[pl.BlockSpec((BLK, Hh), lambda i: (i, 0)),
                  pl.BlockSpec((BLK, 1), lambda i: (i, 0))],
        out_specs=pl.BlockSpec((BLK, Hh), lambda i: (i, 0)),
        out_shape=jax.ShapeDtypeStruct((M, Hh), jnp.float32),
    )(rows, scale.reshape(M, 1))


def _heads_pallas(hm, Wc1, bc1, Wc2, bc2, Wr1, br1, Wr2, br2):
    def body(h_ref, wc1_ref, bc1_ref, wc2_ref, bc2_ref,
             wr1_ref, br1_ref, wr2_ref, br2_ref, cl_ref, rul_ref):
        h = h_ref[...]
        a = jax.nn.relu(jnp.dot(h, wc1_ref[...],
                                preferred_element_type=jnp.float32) + bc1_ref[...])
        cl_ref[...] = jnp.dot(a, wc2_ref[...],
                              preferred_element_type=jnp.float32) + bc2_ref[...]
        b = jax.nn.relu(jnp.dot(h, wr1_ref[...],
                                preferred_element_type=jnp.float32) + br1_ref[...])
        rul_ref[...] = jnp.dot(b, wr2_ref[...],
                               preferred_element_type=jnp.float32) + br2_ref[...]
    return pl.pallas_call(
        body,
        out_shape=(jax.ShapeDtypeStruct((1, Wc2.shape[1]), jnp.float32),
                   jax.ShapeDtypeStruct((1, Wr2.shape[1]), jnp.float32)),
    )(hm, Wc1, bc1, Wc2, bc2, Wr1, br1, Wr2, br2)


def _batchnorm(x, g, beta, eps=1e-5):
    mu = x.mean(axis=0)
    var = x.var(axis=0)
    return g * (x - mu) / jnp.sqrt(var + eps) + beta


def kernel(x, edge_index, W1, b1, g1, be1, W2, b2, g2, be2, W3, b3, g3, be3, Wc1, bc1, Wc2, bc2, Wr1, br1, Wr2, br2):
    src = edge_index[0]
    dst = edge_index[1]
    loop = jnp.arange(N, dtype=src.dtype)
    src2 = jnp.concatenate([src, loop])
    dst2 = jnp.concatenate([dst, loop])
    ones = jnp.ones(src2.shape[0], dtype=x.dtype)
    deg = jax.ops.segment_sum(ones, dst2, num_segments=N)
    dinv = _dinv_pallas(deg)
    norm = dinv[src2] * dinv[dst2]

    def conv(h, W, b, use_pallas_mm):
        xw = _matmul_pallas(h, W) if use_pallas_mm else h @ W
        msg = _scale_rows_pallas(jnp.take(xw, src2, axis=0), norm)
        out = jax.ops.segment_sum(msg, dst2, num_segments=N)
        return out + b

    h = jax.nn.relu(_batchnorm(conv(x, W1, b1, True), g1, be1))
    h = jax.nn.relu(_batchnorm(conv(h, W2, b2, False), g2, be2))
    h = _batchnorm(conv(h, W3, b3, False), g3, be3)
    hm = h.mean(axis=0, keepdims=True)
    return _heads_pallas(hm, Wc1, bc1, Wc2, bc2, Wr1, br1, Wr2, br2)

# --- scband reference (transcript-rebuilt; emitter-appended) ---
"""Pipeline reference for scband-sensor-gcn-82575041232963 (READ-ONLY COPY).

The authoritative reference and input builder live on the scoring server;
editing this copy changes nothing except your own understanding.
"""

import jax, jax.numpy as jnp
import numpy as np

N = 10000
E = 320000
F_IN = 128
H = 64
C = 3


def setup_inputs(seed: int = 0) -> dict:
    key = jax.random.key(seed)
    ks = jax.random.split(key, 24)
    inp = {}
    inp['x'] = jax.random.normal(ks[0], (N, F_IN), dtype=jnp.float32)
    inp['edge_index'] = jax.random.randint(ks[1], (2, E), 0, N, dtype=jnp.int32)
    def w(k, shape):
        return jax.random.normal(k, shape, dtype=jnp.float32) * 0.05
    inp['W1'] = w(ks[2], (F_IN, H)); inp['b1'] = jnp.zeros((H,), jnp.float32)
    inp['g1'] = jnp.ones((H,), jnp.float32); inp['be1'] = jnp.zeros((H,), jnp.float32)
    inp['W2'] = w(ks[3], (H, H)); inp['b2'] = jnp.zeros((H,), jnp.float32)
    inp['g2'] = jnp.ones((H,), jnp.float32); inp['be2'] = jnp.zeros((H,), jnp.float32)
    inp['W3'] = w(ks[4], (H, H)); inp['b3'] = jnp.zeros((H,), jnp.float32)
    inp['g3'] = jnp.ones((H,), jnp.float32); inp['be3'] = jnp.zeros((H,), jnp.float32)
    inp['Wc1'] = w(ks[5], (H, 32)); inp['bc1'] = jnp.zeros((32,), jnp.float32)
    inp['Wc2'] = w(ks[6], (32, C)); inp['bc2'] = jnp.zeros((C,), jnp.float32)
    inp['Wr1'] = w(ks[7], (H, 32)); inp['br1'] = jnp.zeros((32,), jnp.float32)
    inp['Wr2'] = w(ks[8], (32, 1)); inp['br2'] = jnp.zeros((1,), jnp.float32)
    return inp


def gcn_conv(x, W, b, src, dst, n):
    # PyG GCNConv: add self-loops, symmetric normalization, scatter-add aggregation
    xw = x @ W
    loop = jnp.arange(n, dtype=src.dtype)
    src2 = jnp.concatenate([src, loop])
    dst2 = jnp.concatenate([dst, loop])
    ones = jnp.ones(src2.shape[0], dtype=x.dtype)
    deg = jax.ops.segment_sum(ones, dst2, num_segments=n)
    dinv = jnp.where(deg > 0, 1.0 / jnp.sqrt(deg), 0.0)
    norm = dinv[src2] * dinv[dst2]
    msg = norm[:, None] * jnp.take(xw, src2, axis=0)
    out = jax.ops.segment_sum(msg, dst2, num_segments=n)
    return out + b


def batchnorm(x, g, beta, eps=1e-5):
    mu = x.mean(axis=0)
    var = x.var(axis=0)
    return g * (x - mu) / jnp.sqrt(var + eps) + beta


def reference(x, edge_index, W1, b1, g1, be1, W2, b2, g2, be2, W3, b3, g3, be3, Wc1, bc1, Wc2, bc2, Wr1, br1, Wr2, br2):
    src = edge_index[0]
    dst = edge_index[1]
    h = jax.nn.relu(batchnorm(gcn_conv(x, W1, b1, src, dst, N), g1, be1))
    h = jax.nn.relu(batchnorm(gcn_conv(h, W2, b2, src, dst, N), g2, be2))
    h = batchnorm(gcn_conv(h, W3, b3, src, dst, N), g3, be3)
    h = h.mean(axis=0, keepdims=True)
    class_logits = jax.nn.relu(h @ Wc1 + bc1) @ Wc2 + bc2
    rul_pred = jax.nn.relu(h @ Wr1 + br1) @ Wr2 + br2
    return (class_logits, rul_pred)

if __name__ == "__main__":
    import jax
    _d = setup_inputs()
    print(jax.jit(kernel)(*tuple(_d.values())))

</pallas_src>

<mosaic_0001>
module attributes {stable_mosaic.version = 14 : i64} {
  func.func @body(%arg0: memref<10000x128xf32, #tpu.memory_space<vmem>>, %arg1: memref<128x64xf32, #tpu.memory_space<vmem>>, %arg2: memref<10000x64xf32, #tpu.memory_space<vmem>>) attributes {dimension_semantics = [], scalar_prefetch = 0 : i64, scratch_operands = 0 : i64, tpu.core_type = #tpu.core_type<tc>} {
    %get3A = arith.constant 0 : index
    %get3A_0 = arith.constant 0 : index
    %get3A_1 = vector.load %arg0[%get3A, %get3A_0] : memref<10000x128xf32, #tpu.memory_space<vmem>>, vector<10000x128xf32>
    %get3A_2 = arith.constant 0 : index
    %get3A_3 = arith.constant 0 : index
    %get3A_4 = vector.load %arg1[%get3A_2, %get3A_3] : memref<128x64xf32, #tpu.memory_space<vmem>>, vector<128x64xf32>
    %dot_general3A = arith.constant dense<0.000000e+00> : vector<10000x64xf32>
    %dot_general3A_5 = tpu.matmul %get3A_1, %get3A_4, %dot_general3A {dimension_numbers = #tpu.dot_dimension_numbers<[1], [0], [0], [1], [0, 0, 1, 1], [], []>, transpose_lhs_hint = false} : vector<10000x128xf32>, vector<128x64xf32>, vector<10000x64xf32> -> vector<10000x64xf32>
    %swap3A = arith.constant 0 : index
    %swap3A_6 = arith.constant 0 : index
    %swap3A_7 = vector.load %arg2[%swap3A, %swap3A_6] : memref<10000x64xf32, #tpu.memory_space<vmem>>, vector<10000x64xf32>
    tpu.vector_store %arg2[%swap3A, %swap3A_6], %dot_general3A_5 {strides = array<i32>} : memref<10000x64xf32, #tpu.memory_space<vmem>>, vector<10000x64xf32>,
    return
  }
}

module attributes {stable_mosaic.version = 14 : i64} {
  func.func @body(%arg0: memref<1x10000xf32, #tpu.memory_space<vmem>>, %arg1: memref<1x10000xf32, #tpu.memory_space<vmem>>) attributes {dimension_semantics = [], scalar_prefetch = 0 : i64, scratch_operands = 0 : i64, tpu.core_type = #tpu.core_type<tc>} {
    %get3A = arith.constant 0 : index
    %get3A_0 = arith.constant 0 : index
    %get3A_1 = vector.load %arg0[%get3A, %get3A_0] : memref<1x10000xf32, #tpu.memory_space<vmem>>, vector<1x10000xf32>
    %gt3A = arith.constant 0.000000e+00 : f32
    %gt3A_2 = vector.broadcast %gt3A : f32 to vector<1x10000xf32>
    %gt3A_3 = arith.cmpf ogt, %get3A_1, %gt3A_2 : vector<1x10000xf32>
    %rsqrt3A = math.rsqrt %get3A_1 : vector<1x10000xf32>
    %jit3A = arith.constant 0.000000e+00 : f32
    %broadcast_in_dim3A = vector.broadcast %jit3A : f32 to vector<1x10000xf32>
    %select_n3A = arith.select %gt3A_3, %rsqrt3A, %broadcast_in_dim3A : vector<1x10000xi1>, vector<1x10000xf32>
    %swap3A = arith.constant 0 : index
    %swap3A_4 = arith.constant 0 : index
    %swap3A_5 = vector.load %arg1[%swap3A, %swap3A_4] : memref<1x10000xf32, #tpu.memory_space<vmem>>, vector<1x10000xf32>
    tpu.vector_store %arg1[%swap3A, %swap3A_4], %select_n3A {strides = array<i32>} : memref<1x10000xf32, #tpu.memory_space<vmem>>, vector<1x10000xf32>,
    return
  }
}

module attributes {stable_mosaic.version = 14 : i64} {
  func.func @body(%arg0: i32, %arg1: memref<6600x64xf32, #tpu.memory_space<vmem>>, %arg2: memref<6600x1xf32, #tpu.memory_space<vmem>>, %arg3: memref<6600x64xf32, #tpu.memory_space<vmem>>) attributes {dimension_semantics = [#tpu.dimension_semantics<arbitrary>], iteration_bounds = array<i64: 50>, scalar_prefetch = 0 : i64, scratch_operands = 0 : i64, tpu.core_type = #tpu.core_type<tc>, window_params = [{transform_indices = @transform_0, window_bounds = array<i64: 6600, 64>}, {transform_indices = @transform_1, window_bounds = array<i64: 6600, 1>}, {transform_indices = @transform_2, window_bounds = array<i64: 6600, 64>}]} {
    %get3A = arith.constant 0 : index
    %get3A_0 = arith.constant 0 : index
    %get3A_1 = vector.load %arg1[%get3A, %get3A_0] : memref<6600x64xf32, #tpu.memory_space<vmem>>, vector<6600x64xf32>
    %get3A_2 = arith.constant 0 : index
    %get3A_3 = arith.constant 0 : index
    %get3A_4 = vector.load %arg2[%get3A_2, %get3A_3] : memref<6600x1xf32, #tpu.memory_space<vmem>>, vector<6600x1xf32>
    %mul3A = vector.broadcast %get3A_4 : vector<6600x1xf32> to vector<6600x64xf32>
    %mul3A_5 = arith.mulf %get3A_1, %mul3A : vector<6600x64xf32>
    %swap3A = arith.constant 0 : index
    %swap3A_6 = arith.constant 0 : index
    %swap3A_7 = vector.load %arg3[%swap3A, %swap3A_6] : memref<6600x64xf32, #tpu.memory_space<vmem>>, vector<6600x64xf32>
    tpu.vector_store %arg3[%swap3A, %swap3A_6], %mul3A_5 {strides = array<i32>} : memref<6600x64xf32, #tpu.memory_space<vmem>>, vector<6600x64xf32>,
    return
  }
  func.func @transform_0(%arg0: i32) -> (i32, i32) {
    %c0_i32 = arith.constant 0 : i32
    %c0_i32_0 = arith.constant 0 : i32
    return %arg0, %c0_i32 : i32, i32
  }
  func.func @transform_1(%arg0: i32) -> (i32, i32) {
    %c0_i32 = arith.constant 0 : i32
    %c0_i32_0 = arith.constant 0 : i32
    return %arg0, %c0_i32 : i32, i32
  }
  func.func @transform_2(%arg0: i32) -> (i32, i32) {
    %c0_i32 = arith.constant 0 : i32
    %c0_i32_0 = arith.constant 0 : i32
    return %arg0, %c0_i32 : i32, i32
  }
}

module attributes {stable_mosaic.version = 14 : i64} {
  func.func @body(%arg0: memref<1x64xf32, #tpu.memory_space<vmem>>, %arg1: memref<64x32xf32, #tpu.memory_space<vmem>>, %arg2: memref<32xf32, #tpu.memory_space<vmem>>, %arg3: memref<32x3xf32, #tpu.memory_space<vmem>>, %arg4: memref<3xf32, #tpu.memory_space<vmem>>, %arg5: memref<64x32xf32, #tpu.memory_space<vmem>>, %arg6: memref<32xf32, #tpu.memory_space<vmem>>, %arg7: memref<32x1xf32, #tpu.memory_space<vmem>>, %arg8: memref<1xf32, #tpu.memory_space<vmem>>, %arg9: memref<1x3xf32, #tpu.memory_space<vmem>>, %arg10: memref<1x1xf32, #tpu.memory_space<vmem>>) attributes {dimension_semantics = [], scalar_prefetch = 0 : i64, scratch_operands = 0 : i64, tpu.core_type = #tpu.core_type<tc>} {
    %get3A = arith.constant 0 : index
    %get3A_0 = arith.constant 0 : index
    %get3A_1 = vector.load %arg0[%get3A, %get3A_0] : memref<1x64xf32, #tpu.memory_space<vmem>>, vector<1x64xf32>
    %get3A_2 = arith.constant 0 : index
    %get3A_3 = arith.constant 0 : index
    %get3A_4 = vector.load %arg1[%get3A_2, %get3A_3] : memref<64x32xf32, #tpu.memory_space<vmem>>, vector<64x32xf32>
    %dot_general3A = arith.constant dense<0.000000e+00> : vector<1x32xf32>
    %dot_general3A_5 = tpu.matmul %get3A_1, %get3A_4, %dot_general3A {dimension_numbers = #tpu.dot_dimension_numbers<[1], [0], [0], [1], [0, 0, 1, 1], [], []>, transpose_lhs_hint = false} : vector<1x64xf32>, vector<64x32xf32>, vector<1x32xf32> -> vector<1x32xf32>
    %get3A_6 = arith.constant 0 : index
    %get3A_7 = vector.load %arg2[%get3A_6] : memref<32xf32, #tpu.memory_space<vmem>>, vector<32xf32>
    %broadcast_in_dim3A = vector.shape_cast %get3A_7 : vector<32xf32> to vector<1x32xf32>
    %add3A = arith.addf %dot_general3A_5, %broadcast_in_dim3A : vector<1x32xf32>
    %max3A = arith.constant 0.000000e+00 : f32
    %max3A_8 = vector.broadcast %max3A : f32 to vector<1x32xf32>
    %max3A_9 = arith.maximumf %add3A, %max3A_8 : vector<1x32xf32>
    %get3A_10 = arith.constant 0 : index
    %get3A_11 = arith.constant 0 : index
    %get3A_12 = vector.load %arg3[%get3A_10, %get3A_11] : memref<32x3xf32, #tpu.memory_space<vmem>>, vector<32x3xf32>
    %dot_general3A_13 = arith.constant dense<0.000000e+00> : vector<1x3xf32>
    %dot_general3A_14 = tpu.matmul %max3A_9, %get3A_12, %dot_general3A_13 {dimension_numbers = #tpu.dot_dimension_numbers<[1], [0], [0], [1], [0, 0, 1, 1], [], []>, transpose_lhs_hint = false} : vector<1x32xf32>, vector<32x3xf32>, vector<1x3xf32> -> vector<1x3xf32>
    %get3A_15 = arith.constant 0 : index
    %get3A_16 = vector.load %arg4[%get3A_15] : memref<3xf32, #tpu.memory_space<vmem>>, vector<3xf32>
    %broadcast_in_dim3A_17 = vector.shape_cast %get3A_16 : vector<3xf32> to vector<1x3xf32>
    %add3A_18 = arith.addf %dot_general3A_14, %broadcast_in_dim3A_17 : vector<1x3xf32>
    %swap3A = arith.constant 0 : index
    %swap3A_19 = arith.constant 0 : index
    %swap3A_20 = vector.load %arg9[%swap3A, %swap3A_19] : memref<1x3xf32, #tpu.memory_space<vmem>>, vector<1x3xf32>
    tpu.vector_store %arg9[%swap3A, %swap3A_19], %add3A_18 {strides = array<i32>} : memref<1x3xf32, #tpu.memory_space<vmem>>, vector<1x3xf32>,
    %get3A_21 = arith.constant 0 : index
    %get3A_22 = arith.constant 0 : index
    %get3A_23 = vector.load %arg5[%get3A_21, %get3A_22] : memref<64x32xf32, #tpu.memory_space<vmem>>, vector<64x32xf32>
    %dot_general3A_24 = arith.constant dense<0.000000e+00> : vector<1x32xf32>
    %dot_general3A_25 = tpu.matmul %get3A_1, %get3A_23, %dot_general3A_24 {dimension_numbers = #tpu.dot_dimension_numbers<[1], [0], [0], [1], [0, 0, 1, 1], [], []>, transpose_lhs_hint = false} : vector<1x64xf32>, vector<64x32xf32>, vector<1x32xf32> -> vector<1x32xf32>
    %get3A_26 = arith.constant 0 : index
    %get3A_27 = vector.load %arg6[%get3A_26] : memref<32xf32, #tpu.memory_space<vmem>>, vector<32xf32>
    %broadcast_in_dim3A_28 = vector.shape_cast %get3A_27 : vector<32xf32> to vector<1x32xf32>
    %add3A_29 = arith.addf %dot_general3A_25, %broadcast_in_dim3A_28 : vector<1x32xf32>
    %max3A_30 = arith.constant 0.000000e+00 : f32
    %max3A_31 = vector.broadcast %max3A_30 : f32 to vector<1x32xf32>
    %max3A_32 = arith.maximumf %add3A_29, %max3A_31 : vector<1x32xf32>
    %get3A_33 = arith.constant 0 : index
    %get3A_34 = arith.constant 0 : index
    %get3A_35 = vector.load %arg7[%get3A_33, %get3A_34] : memref<32x1xf32, #tpu.memory_space<vmem>>, vector<32x1xf32>
    %dot_general3A_36 = arith.constant dense<0.000000e+00> : vector<1x1xf32>
    %dot_general3A_37 = tpu.matmul %max3A_32, %get3A_35, %dot_general3A_36 {dimension_numbers = #tpu.dot_dimension_numbers<[1], [0], [0], [1], [0, 0, 1, 1], [], []>, transpose_lhs_hint = false} : vector<1x32xf32>, vector<32x1xf32>, vector<1x1xf32> -> vector<1x1xf32>
    %get3A_38 = arith.constant 0 : index
    %get3A_39 = vector.load %arg8[%get3A_38] : memref<1xf32, #tpu.memory_space<vmem>>, vector<1xf32>
    %broadcast_in_dim3A_40 = vector.shape_cast %get3A_39 : vector<1xf32> to vector<1x1xf32>
    %add3A_41 = arith.addf %dot_general3A_37, %broadcast_in_dim3A_40 : vector<1x1xf32>
    %swap3A_42 = arith.constant 0 : index
    %swap3A_43 = arith.constant 0 : index
    %swap3A_44 = vector.load %arg10[%swap3A_42, %swap3A_43] : memref<1x1xf32, #tpu.memory_space<vmem>>, vector<1x1xf32>
    tpu.vector_store %arg10[%swap3A_42, %swap3A_43], %add3A_41 {strides = array<i32>} : memref<1x1xf32, #tpu.memory_space<vmem>>, vector<1x1xf32>,
    return
  }
}

</mosaic_0001>

<sc_bundles>
// kernel: scatter_offload_async_start.1
scs
__scs_entry_jumppad:
0x0: {  	(pc) =	sbr.rel $0x88, $3  }
0x1: {  	(tag) =	ssettag $0x0;
	lr =	simm.s32 $0x1  }
0x2: {  	[smem:$0x3F8B] =	sst lr;
	_ =	strace $0xD0000000  }
0x3: {  	_ = 	snop  }
0x4: {  	_ = 	snop  }
0x5: {  	_ = 	snop  }
0x6: {  	_ = 	snop  }
0x7: {  	_ = 	snop  }
__scs_overlays_trampoline_lowered:
0x8: {  	[smem:$0x3F9A] =	sst s0  }
0x9: {  	[smem:$0x3F9B] =	sst s1  }
0xa: {  	[smem:$0x3F9C] =	sst s2  }
0xb: {  	[smem:$0x3F9D] =	sst s3  }
0xc: {  	[smem:$0x3F9E] =	sst s4  }
0xd: {  	[smem:$0x3F9F] =	sst s5  }
0xe: {  	[smem:$0x3FA0] =	sst s6  }
0xf: {  	[smem:$0x3FA1] =	sst s7  }
0x10: {  	[smem:$0x3FA2] =	sst s8  }
0x11: {  	[smem:$0x3FA3] =	sst s9;
	s0 =	simm.s32 @!p0 $0x0  }
0x12: {  	s1 =	sld [smem:$0x3F89];
	s0 =	simm.s32 @p0 $0x1  }
0x13: {  	[smem:$0x3FA4] =	sst s0;
	s0 =	simm.s32 @!p1 $0x0  }
0x14: {  	s2 =	sld [smem:$0x3F88];
	s0 =	simm.s32 @p1 $0x1  }
0x15: {  	[smem:$0x3FA5] =	sst s0;
	s0 =	simm.s32 @!p2 $0x0  }
0x16: {  	s3 =	sld [smem:$0x3FDB];
	s0 =	simm.s32 @p2 $0x1  }
0x17: {  	s4 =	simm.s32 $0x1BF5;
	[smem:$0x3FA7] =	sst s0  }
0x18: {  	s0 =	sld [smem:$0x3F8A];
	_ =	swait.ge [sflag:s4], $0x0  }
0x19: {  	s7 =	sld [smem:$0x3F8B]  }
0x1a: {  	s8 =	sadd.s32 $0xFFFFE003, lr  }
0x1b: {  	s9 =	sadd.s32 $0xFFFFFEF7, lr;
	s5 =	simm.s32 $0xFFFFFFFF;
	p2 =	slt.u32 s8, $0xFFFFF086  }
0x1c: {  	p1 =	slt.u32 s9, $0xF7A;
	s5 =	simm.s32 @!p2 $0x0  }
0x1d: {  	s5 =	simm.s32 @p1 $0x1;
	p0 =	seq.s32 s7, s2  }
0x1e: {  	s7 =	smul.u32 @!p0 $0xF7A, s2;
	p2 =	seq.s32 @!p0 s5, $0x0  }
0x1f: {  	s9 =	smul.u32 $0xF7A, s1;
	s8 =	simm.s32 @!p0 $0x1BF5;
	p2 =	por !p2, p0  }
0x20: {  	[sflag:s8] =	ssyncset.s32 @!p0 $0xFFFFF086;
	s6 =	sadd.s32 @!p0 s3, s7;
	s7 =	simm.s32 @!p0 $0x108  }
0x21: {  	s3 =	sadd.s32 s3, s9;
	s6 =	sadd.s32 @!p0 $0x88, s6;
	s7 =	simm.s32 @p2 $0x1082  }
0x22: {  	[simem:s7], [sflag:s8] =	dma.local @!p0 [hbm:s6], $0xF7A  }
0x23: {  	s9 =	sor.u32 $0xD0000000, s2;
	s6 =	simm.s32 $0x108;
	_ =	swait.ge @!p0 [sflag:s8], $0x0  }
0x24: {  	s3 =	sadd.s32 $0x88, s3;
	s6 =	simm.s32 @!p1 $0x1082;
	[sflag:s4] =	ssyncset.s32 $0xFFFFF086  }
0x25: {  	[simem:s6], [sflag:s4] =	dma.local [hbm:s3], $0xF7A  }
0x26: {  	[smem:$0x3F8B] =	sst s1;
	(tag) =	ssettag s2;
	_ =	strace s9  }
0x27: {  	s1 =	sld [smem:$0x3F9B]  }
0x28: {  	s2 =	sld [smem:$0x3F9C]  }
0x29: {  	s4 =	sld [smem:$0x3F9E]  }
0x2a: {  	p0 =	seq.s32 s5, $0x0;
	s5 =	sld [smem:$0x3F9F]  }
0x2b: {  	s6 =	sld [smem:$0x3FA0]  }
0x2c: {  	s7 =	sld [smem:$0x3FA1]  }
0x2d: {  	s3 =	simm.s32 $0x108;
	s8 =	sld [smem:$0x3FA2]  }
0x2e: {  	s3 =	simm.s32 @!p0 $0x1082;
	s9 =	sld [smem:$0x3FA3]  }
0x2f: {  	lr =	sadd.s32 s0, s3;
	s0 =	sld [smem:$0x3F9A]  }
0x30: {  	s3 =	sld [smem:$0x3F9D]  }
0x31: {  	[smem:$0x3FA6] =	sst s10  }
0x32: {  	s10 =	sld [smem:$0x3FA4];
	_ =	sdelay $0x3  }
0x33: {  	p0 =	seq.s32 s10, $0x1;
	s10 =	sld [smem:$0x3FA6];
	_ =	sdelay $0x3  }
0x34: {  	[smem:$0x3FA6] =	sst s10  }
0x35: {  	s10 =	sld [smem:$0x3FA5];
	_ =	sdelay $0x3  }
0x36: {  	p1 =	seq.s32 s10, $0x1;
	s10 =	sld [smem:$0x3FA6];
	_ =	sdelay $0x3  }
0x37: {  	[smem:$0x3FA6] =	sst s10  }
0x38: {  	s10 =	sld [smem:$0x3FA7]  }
0x39: {  	_ = 	snop;
	(pc) =	sbr.ind lr, $3  }
0x3a: {  	_ = 	snop  }
0x3b: {  	_ = 	snop  }
0x3c: {  	p2 =	seq.s32 s10, $0x1;
	s10 =	sld [smem:$0x3FA6]  }
0x3d: {  	_ =	shalt  }
0x3e: {  	_ =	shalt  }
0x3f: {  	_ =	shalt  }
0x40: {  	_ =	shalt  }
0x41: {  	_ =	shalt  }
0x42: {  	_ =	shalt  }
0x43: {  	_ =	shalt  }
0x44: {  	_ =	shalt  }
0x45: {  	_ =	shalt  }
0x46: {  	_ =	shalt  }
0x47: {  	_ =	shalt  }
0x48: {  	_ =	shalt  }
0x49: {  	_ =	shalt  }
0x4a: {  	_ =	shalt  }
0x4b: {  	_ =	shalt  }
0x4c: {  	_ =	shalt  }
0x4d: {  	_ =	shalt  }
0x4e: {  	_ =	shalt  }
0x4f: {  	_ =	shalt  }
0x50: {  	_ =	shalt  }
0x51: {  	_ =	shalt  }
0x52: {  	_ =	shalt  }
0x53: {  	_ =	shalt  }
0x54: {  	_ =	shalt  }
0x55: {  	_ =	shalt  }
0x56: {  	_ =	shalt  }
0x57: {  	_ =	shalt  }
0x58: {  	_ =	shalt  }
0x59: {  	_ =	shalt  }
0x5a: {  	_ =	shalt  }
0x5b: {  	_ =	shalt  }
0x5c: {  	_ =	shalt  }
0x5d: {  	_ =	shalt  }
0x5e: {  	_ =	shalt  }
0x5f: {  	_ =	shalt  }
0x60: {  	_ =	shalt  }
0x61: {  	_ =	shalt  }
0x62: {  	_ =	shalt  }
0x63: {  	_ =	shalt  }
0x64: {  	_ =	shalt  }
0x65: {  	_ =	shalt  }
0x66: {  	_ =	shalt  }
0x67: {  	_ =	shalt  }
0x68: {  	_ =	shalt  }
0x69: {  	_ =	shalt  }
0x6a: {  	_ =	shalt  }
0x6b: {  	_ =	shalt  }
0x6c: {  	_ =	shalt  }
0x6d: {  	_ =	shalt  }
0x6e: {  	_ =	shalt  }
0x6f: {  	_ =	shalt  }
0x70: {  	_ =	shalt  }
0x71: {  	_ =	shalt  }
0x72: {  	_ =	shalt  }
0x73: {  	_ =	shalt  }
0x74: {  	_ =	shalt  }
0x75: {  	_ =	shalt  }
0x76: {  	_ =	shalt  }
0x77: {  	_ =	shalt  }
0x78: {  	_ =	shalt  }
0x79: {  	_ =	shalt  }
0x7a: {  	_ =	shalt  }
0x7b: {  	_ =	shalt  }
0x7c: {  	_ =	shalt  }
0x7d: {  	_ =	shalt  }
0x7e: {  	_ =	shalt  }
0x7f: {  	_ =	shalt  }
0x80: {  	_ =	shalt  }
0x81: {  	_ =	shalt  }
0x82: {  	_ =	shalt  }
0x83: {  	_ =	shalt  }
0x84: {  	_ =	shalt  }
0x85: {  	_ =	shalt  }
0x86: {  	_ =	shalt  }
0x87: {  	_ =	shalt  }
.Lfunc_end0:
.L_simem_size_0:
called_computation.1_lowered:
.L_overlay_start_0:
0x88: {  	s0 =	sld [smem:$0x3FD9]  }
0x89: {  	s1 =	sld [smem:$0x3FFE];
	_ =	sdelay $0x3  }
0x8a: {  	s0 =	sadd.s32 s1, s0  }
0x8b: {  	[smem:$0x3FB2] =	sst s0  }
0x8c: {  	_ = 	snop  }
0x8d: {  	(tm) =	ssettm $0x1  }
0x8e: {  	s15 =	sld [smem:$0x3FFB];
	_ =	sdelay $0x3  }
0x8f: {  	_ =	strace s15  }
0x90: {  	s0 =	sld [smem:$0x3FFC];
	_ =	sdelay $0x3  }
0x91: {  	_ =	strace s0  }
0x92: {  	s0 =	sld [smem:$0x3FFD];
	_ =	sdelay $0x3  }
0x93: {  	_ =	strace s0  }
0x94: {  	_ =	strace $0x8FFFFFFF  }
0x95: {  	s16 =	sld [smem:$0x3FDB];
	_ =	sdelay $0x1  }
0x96: {  	s17 =	simm.s32 $_scs_section_size  }
0x97: {  	s2 =	simm.s32 $_size__tile_overlayer_lowered;
	s3 =	simm.s32 $_tile_overlayer_lowered  }
0x98: {  	s20 =	simm.s32 $0x1BFF;
	s19 =	sshll.u32 s3, $0x1;
	s0 =	sadd.s32 s17, s16  }
0x99: {  	s4 =	simm.s32 $0x0;
	s18 =	sshll.u32 s2, $0x1;
	s2 =	sadd.s32 s19, s0  }
0x9a: {  	[timem:s4], [sflag:s20] =	dma.local [hbm:s2], s18  }
0x9b: {  	_ =	swait.ge [sflag:s20], s18  }
0x9c: {  	s1 =	ssub.s32 $0x0, s18;
	[sflag:s20] =	ssyncset.done $0x0  }
0x9d: {  	[sflag:s20] =	ssyncadd.s32 s1;
	_ =	sdelay $0x1  }
0x9e: {  	s21 =	simm.s32 $0x1B8B  }
0x9f: {  	_ =	swait.ge [sflag:s21], $0x1  }
0xa0: {  	[sflag:s21] =	ssyncset.done $0x0  }
0xa1: {  	s23 =	simm.s32 $0x1B8E;
	s22 =	sld [smem:$0x3FFE];
	[sflag:s21] =	ssyncadd.s32 $0xFFFFFFFF  }
0xa2: {  	s24 =	simm.s32 $execute0_lowered;
	[smem:$0x3FD2] =	sst s23  }
0xa3: {  	s2 =	sshll.u32 s24, $0x1;
	_ =	strace $0x80000049;
	[dreg:$0x1] =	wrdreg $0xFFFFFFFF  }
0xa4: {  	s25 =	simm.s32 $_size_execute0_lowered;
	s0 =	sadd.s32 s0, s2;
	[dreg:$0x0] =	wrdreg $0x0  }
0xa5: {  	s2 =	sshll.u32 s25, $0x1;
	[dreg:$0x2] =	wrdreg s0  }
0xa6: {  	[dreg:$0x3] =	wrdreg s2  }
0xa7: {  	[dreg:$0x4] =	wrdreg $0xC0  }
0xa8: {  	_ =	task [dreg:s4], $0x5FFFF  }
0xa9: {  	[dreg:$0x1] =	wrdreg $0xFFFFFFFF  }
0xaa: {  	[dreg:$0x0] =	wrdreg $0x60  }
0xab: {  	[dreg:$0x2] =	wrdreg s22  }
0xac: {  	[dreg:$0x3] =	wrdreg $0x9  }
0xad: {  	_ =	task.clear_ibuf [dreg:s4], $0x4FFFF;
	_ =	strace $0x90000049  }
0xae: {  	s26 =	simm.s32 $0x9;
	_ =	strace $0x8000004B  }
0xaf: {  	_ =	swait.ge [sflag:s26], $0x1  }
0xb0: {  	[sflag:s26] =	ssyncadd.s32 $0xFFFFFFFF  }
0xb1: {  	_ =	strace $0x9000004B  }
0xb2: {  	_ =	sfence  }
0xb3: {  	s28 =	sld [smem:$0x0];
	_ =	sdelay $0x1  }
0xb4: {  	s29 =	srdreg.scid  }
0xb5: {  	s30 =	sshll.u32 s29, $0xD;
	s31 =	sshrl.u32 s29, $0x2  }
0xb6: {  	s1 =	sand.u32 $0x1, s29;
	s2 =	sand.u32 $0x4000, s30;
	s0 =	sadd.s32 s31, s28  }
0xb7: {  	s1 =	sor.u32 s2, s1;
	s0 =	sshll.u32 s0, $0x11  }
0xb8: {  	s0 =	sor.u32 s0, s1  }
0xb9: {  	s0 =	sadd.s32 $0x8F2B, s0  }
0xba: {  	[sflag:s0] =	ssyncadd.remote.s32 $0x1  }
0xbb: {  	_ =	sfence.sel $0xFFFF  }
0xbc: {  	[dreg:$0x0] =	wrdreg $0xFFFFFFFF;
	(pc) =	sbr.abs _section_cstart, $3  }
0xbd: {  	[dreg:$0x1] =	wrdreg $0xFFFFFFFF  }
0xbe: {  	_ =	task.clear_ibuf [dreg:s4], $0x2FFFF;
	_ =	strace $0x9FFFFFFF  }
0xbf: {  	(tm) =	ssettm $0x7FFFFFFF  }
tec
execute0_lowered:
.L_overlay_start_1:
0x0: {  	(tag) =	ssettag $0x1  }
0x1: {  	s0 =	rddreg [dreg:$0x0];
	_ =	strace $0x8000004A;
	s1 =	simm.s32 $0x1  }
0x2: {  	s8 =	simm.s32 $0x88;
	v0 =	vimm.s32 $0x0;
	[sflag:s1] =	ssyncpa.u1 $0x0  }
0x3: {  	[tilespmem:s8+$0x30] =	vst v0  }
0x4: {  	s1 =	sadd.s32 $0x35400, s0;
	s3 =	sadd.s32 $0x21000, s0;
	[tilespmem:s8+$0x20] =	vst v0  }
0x5: {  	s4 =	sadd.s32 $0xA5BC00, s0;
	s5 =	sadd.s32 $0x2B200, s0;
	s0 =	simm.s32 $0x40;
	[tilespmem:s8+$0x10] =	vst v0  }
.LBB2_1:
0x6: {  	s0 =	sadd.s32 $0x40, s0  }
0x7: {  	[tilespmem:s8+$0x0] =	vst v0;
	s8 =	sadd.s32 $0x40, s8;
	p0 =	slt.u32 s0, $0x5040  }
.Ltmp0:
0x8: {  	(pc) =	sbr.rel @p0 .LBB2_1-.Ltmp0, $4  }
0x9: {  	_ = 	snop  }
0xa: {  	[tilespmem:s8+$0x30] =	vst v0  }
0xb: {  	[tilespmem:s8+$0x20] =	vst v0  }
0xc: {  	[tilespmem:s8+$0x10] =	vst v0  }
0xd: {  	s9 =	stileid.u32  }
0xe: {  	s0 =	smin.u32 s9, $0x8;
	s2 =	sshll.u32 s9, $0x6  }
0xf: {  	s0 =	sor.u32 s0, s2  }
0x10: {  	p0 =	slt.u32 s9, $0x8;
	s6 =	smul.u32 $0x140, s0;
	s0 =	simm.s32 $0x5140  }
0x11: {  	s0 =	simm.s32 @!p0 $0x5000  }
0x12: {  	s0 =	sadd.s32 s0, s6  }
0x13: {  	s7 =	smin.u32 s0, $0x50910  }
0x14: {  	s0 =	ssub.s32 s7, s6  }
0x15: {  	p0 =	sgt.s32 s0, $0x0  }
0x16: {  	s0 =	simm.s32 @!p0 $0x0  }
0x17: {  	s29 =	simm.s32 $0x2;
	s10 =	simm.s32 $0x7;
	s28 =	smulhi.u32 $0x66666667, s0  }
0x18: {  	s31 =	simm.s32 $0x8;
	s11 =	simm.s32 $0x1;
	s15 =	simm.s32 $0x0  }
0x19: {  	p1 =	por $0x0, $0x0;
	s16 =	simm.s32 $0xA;
	s2 =	sshrl.u32 s28, $0x7  }
0x1a: {  	s20 =	simm.s32 $0x0;
	s17 =	simm.s32 $0x0;
	s30 =	smul.u32 $0x140, s2  }
.Ltmp1:
0x1b: {  	[tilespmem:s8+$0x0] =	vst v0;
	v0 =	vimm.s32 $0xFFFFFFFF;
	s19 =	simm.s32 $0x0;
	[sflag:s29] =	ssyncpa.u1 $0x0;
	(pc) =	sbr.rel .LBB2_3-.Ltmp1, $4  }
0x1c: {  	[tilespmem:$0xA108] =	vst v0;
	[sflag:s10] =	ssyncpa.u1 $0x0;
	p0 =	sne.s32 s0, s30;
	s0 =	simm.s32 $0x1  }
0x1d: {  	s10 =	simm.s32 $0x9;
	[sflag:s31] =	ssyncpa.u1 $0x0;
	s0 =	simm.s32 @!p0 $0x0  }
0x1e: {  	s13 =	sshll.u32 s9, $0x7;
	[sflag:s10] =	ssyncpa.u1 $0x0;
	s12 =	sadd.s32 s0, s2  }
0x1f: {  	v0 =	vlaneseq.u32;
	s18 =	smov.u32 s6;
	p0 =	por $0x1, $0x1;
	s14 =	sadd.s32 $0x1, s12  }
.LBB2_24:
0x20: {  	s0 =	sshrl.u32 s29, $0x2  }
.LBB2_26:
0x21: {  	_ =	swait.ge [sflag:s16], s0  }
0x22: {  	s31 =	ssub.s32 $0x0, s0;
	v1 =	vmov s22;
	vm0 =	veq.s32 v0, $0x0;
	[sflag:s16] =	ssyncset.done $0x0  }
0x23: {  	vm15 =	veq.s32 v0, $0x2;
	v1 =	vsel vm0, s28, v1;
	[sflag:s16] =	ssyncadd.s32 s31  }
0x24: {  	v1 =	vsel vm15, s20, v1;
	[sflag:s16] =	ssyncpa.u1 $0x1  }
0x25: {  	[tilespmem:$0xA108] =	vst v1  }
.LBB2_27:
0x26: {  	s0 =	sadd.s32 $0x140, s18  }
0x27: {  	s2 =	smov.u32 s6;
	p2 =	slt.s32 s0, s7  }
0x28: {  	s2 =	smov.u32 @p2 s0;
	p2 =	sne.s32 s19, s14  }
.Ltmp2:
0x29: {  	_ = 	snop;
	(pc) =	sbr.rel @!p2 .LBB2_28-.Ltmp2, $4  }
0x2a: {  	_ = 	snop  }
0x2b: {  	s20 =	smov.u32 s17  }
0x2c: {  	s31 =	sadd.s32 $0x1, s19;
	s17 =	smov.u32 s18;
	p0 =	por !p0, !p0  }
0x2d: {  	p1 =	por !p1, !p1;
	s19 =	smov.u32 s31;
	s18 =	smov.u32 s2  }
.LBB2_3:
0x2e: {  	p2 =	sge.u32 s19, s12  }
0x2f: {  	s0 =	smulhi.u32 @!p2 $0xAAAAAAAB, s19  }
0x30: {  	s2 =	smov.u32 s18;
	p3 =	sgt.s32 @!p2 s18, $0x507D0  }
0x31: {  	s8 =	sshra.s32 @!p2 s18, $0x1F;
	p3 =	por !p3, p2;
	s0 =	sshrl.u32 @!p2 s0, $0x1  }
0x32: {  	s8 =	sand.u32 @!p2 s8, s18;
	s2 =	simm.s32 @p3 $0x507D0;
	s0 =	smul.u32 @!p2 $0x3, s0  }
0x33: {  	s2 =	ssub.s32 @!p2 s2, s8  }
0x34: {  	s22 =	sadd.s32 $0xFFFFFFFF, s19;
	s2 =	sadd.s32 @!p2 $0xFFFAF830, s2;
	s0 =	ssub.s32 @!p2 s19, s0  }
0x35: {  	s8 =	sshll.u32 @!p2 s2, $0x2;
	p3 =	sgt.s32 @!p2 s2, $0x13F;
	s0 =	smul.u32 @!p2 $0x500, s0  }
0x36: {  	s21 =	sand.u32 @!p2 $0x7, s18;
	s2 =	ssub.s32 @!p2 $0x500, s8;
	p3 =	por !p3, p2  }
0x37: {  	s8 =	sshrl.u32 @!p2 s18, $0x3;
	s2 =	sshrl.u32 @!p2 s2, $0x2;
	s0 =	sshrl.u32 @!p2 s0, $0x2  }
0x38: {  	s8 =	sadd.s32 @!p2 s5, s8;
	s2 =	simm.s32 @!p3 $0x0;
	s0 =	sadd.s32 @!p2 $0xA938, s0  }
0x39: {  	[tilespmem:s0], [sflag:$0x8] =	stream.linear.gather @!p2 [hbm4b:s8+s21], s2, $0x38;
	[tilespmem:$0x1EF78] =	vst v63  }
0x3a: {  	p2 =	sge.u32 s22, s12  }
0x3b: {  	p3 =	sgt.s32 @!p2 s17, $0x507D0  }
0x3c: {  	s0 =	smov.u32 s17;
	s2 =	sshra.s32 @!p2 s17, $0x1F;
	p3 =	por !p3, p2  }
0x3d: {  	s2 =	sand.u32 @!p2 s2, s17;
	s0 =	simm.s32 @p3 $0x507D0  }
0x3e: {  	s0 =	ssub.s32 @!p2 s0, s2  }
0x3f: {  	s0 =	sadd.s32 @!p2 $0xFFFAF830, s0  }
0x40: {  	s2 =	sshll.u32 @!p2 s0, $0x2  }
0x41: {  	p3 =	sgt.s32 @!p2 s0, $0x13F;
	s0 =	ssub.s32 @!p2 $0x500, s2  }
0x42: {  	p3 =	por !p3, p2;
	s0 =	sshrl.u32 @!p2 s0, $0x2  }
0x43: {  	s8 =	simm.s32 @!p2 $0x8;
	s2 =	sand.u32 @!p2 $0x1, s22;
	s0 =	simm.s32 @!p3 $0x0  }
0x44: {  	s2 =	smul.u32 @!p2 $0x500, s2;
	_ =	swait.ge @!p2 [sflag:s8], s0  }
0x45: {  	s21 =	ssub.s32 @!p2 $0x0, s0;
	[sflag:s8] =	ssyncset.done @!p2 $0x0  }
0x46: {  	s2 =	sshrl.u32 @!p2 s2, $0x2;
	[sflag:s8] =	ssyncadd.s32 @!p2 s21;
	s8 =	sshrl.u32 @!p2 s17, $0x3  }
0x47: {  	s2 =	sadd.s32 @!p2 $0xACF8, s2;
	s21 =	sand.u32 @!p2 $0x7, s17;
	s8 =	sadd.s32 @!p2 s3, s8  }
0x48: {  	[tilespmem:s2], [sflag:$0x9] =	stream.linear.gather @!p2 [hbm4b:s8+s21], s0, $0x38;
	[tilespmem:$0x1EF78] =	vst v63  }
0x49: {  	s21 =	ssub.s32 @!p2 $0x50910, s17  }
0x4a: {  	p3 =	slt.s32 @!p2 s21, $0x1  }
0x4b: {  	p3 =	por p2, p3  }
.Ltmp3:
0x4c: {  	_ = 	snop;
	(pc) =	sbr.rel @p3 .LBB2_9-.Ltmp3, $1  }
0x4d: {  	_ =	sdelay $0x3  }
0x4e: {  	s0 =	smulhi.u32 $0xAAAAAAAB, s22;
	_ =	sdelay $0x1  }
0x4f: {  	s0 =	sshrl.u32 s0, $0x1  }
0x50: {  	s0 =	smul.u32 $0x3, s0;
	_ =	sdelay $0x1  }
0x51: {  	s0 =	ssub.s32 s22, s0  }
0x52: {  	s2 =	simm.s32 $0x1;
	s0 =	smul.u32 $0x500, s0  }
.Ltmp4:
0x53: {  	s2 =	simm.s32 @!p0 $0x0;
	(pc) =	sbr.rel .LBB2_6-.Ltmp4, $4  }
0x54: {  	s2 =	smul.u32 $0x28000, s2  }
0x55: {  	p3 =	slt.s32 @!p2 s21, $0x140;
	s0 =	sshrl.u32 s0, $0x2  }
0x56: {  	p2 =	por !p3, p2;
	s2 =	sshrl.u32 s2, $0x2;
	s0 =	sadd.s32 $0xA938, s0  }
0x57: {  	s23 =	simm.s32 $0x0;
	s21 =	simm.s32 @p2 $0x140;
	s22 =	sadd.s32 $0xAF78, s2;
	v1 =	vmov s0  }
.LBB2_5:
0x58: {  	p2 =	sge.s32 s23, s21  }
.Ltmp5:
0x59: {  	_ = 	snop;
	(pc) =	sbr.rel @p2 .LBB2_9-.Ltmp5, $2  }
0x5a: {  	_ =	sdelay $0x2  }
0x5b: {  	s22 =	sadd.s32 $0x800, s22  }
.LBB2_6:
0x5c: {  	p2 =	sle.s32 s21, s23  }
.Ltmp6:
0x5d: {  	_ = 	snop;
	(pc) =	sbr.rel @p2 .LBB2_5-.Ltmp6, $2  }
0x5e: {  	_ =	sdelay $0x2  }
0x5f: {  	s24 =	smov.u32 s23;
	s23 =	sadd.s32 $0x10, s23  }
0x60: {  	s0 =	ssub.s32 s21, s24  }
0x61: {  	p2 =	slt.s32 s0, $0x10  }
0x62: {  	s0 =	simm.s32 @!p2 $0x10  }
0x63: {  	v2 =	vmov s0  }
0x64: {  	vm0 =	vgt.s32 v2, v0;
	_ =	sdelay $0x5  }
0x65: {  	v2 =	vld.idx.msk [tilespmem:v1+s24+$0x0 ss:$0x1], vm0;
	_ =	sdelay $0x2  }
0x66: {  	p2 =	slt.s32 s23, s21;
	s0 =	smov.u32 s21  }
0x67: {  	s2 =	smov.u32 s22;
	s25 =	simm.s32 $0x0;
	s0 =	smov.u32 @p2 s23  }
.LBB2_8:
0x68: {  	(v2sf) =	vpush v2, s25;
	_ =	sdelay $0xc  }
0x69: {  	s25 =	sadd.s32 $0x1, s25  }
0x6a: {  	s31 =	sadd.s32 s25, s24  }
0x6b: {  	p2 =	slt.s32 s31, s0;
	s8 =	spop (v2sf)  }
.Ltmp7:
0x6c: {  	s8 =	sshll.u32 s8, $0x4;
	(pc) =	sbr.rel @p2 .LBB2_8-.Ltmp7, $4  }
0x6d: {  	s8 =	sand.u32 $0x1FFFFFF0, s8  }
0x6e: {  	s8 =	sadd.s32 s4, s8  }
0x6f: {  	[tilespmem:s2], [sflag:$0x7] =	stream.linear.gather [hbm4b:s8+s15], $0x40, $0x38;
	[tilespmem:$0x1EF78] =	vst v63  }
0x70: {  	s2 =	sadd.s32 $0x80, s2  }
.Ltmp8:
0x71: {  	_ = 	snop;
	(pc) =	sbr.rel .LBB2_5-.Ltmp8, $1  }
0x72: {  	_ =	sdelay $0x3  }
.LBB2_9:
0x73: {  	p2 =	slt.u32 s19, $0x2  }
.Ltmp9:
0x74: {  	_ = 	snop;
	(pc) =	sbr.rel @p2 .LBB2_27-.Ltmp9, $1  }
0x75: {  	_ =	sdelay $0x3  }
0x76: {  	p2 =	sgt.s32 s20, $0x507D0;
	s0 =	smov.u32 s20  }
0x77: {  	s2 =	sshra.s32 s20, $0x1F;
	s8 =	ssub.s32 $0x50910, s20;
	s0 =	simm.s32 @!p2 $0x507D0  }
0x78: {  	s2 =	sand.u32 s2, s20;
	p2 =	slt.s32 s8, $0x140;
	s21 =	smov.u32 s8  }
0x79: {  	s0 =	ssub.s32 s0, s2;
	s21 =	simm.s32 @!p2 $0x140  }
0x7a: {  	s0 =	sadd.s32 $0xFFFAF830, s0;
	s26 =	sshll.u32 s21, $0x6  }
0x7b: {  	s9 =	simm.s32 $0x7;
	s29 =	sshll.u32 s0, $0x2;
	s2 =	sand.u32 $0x3FFFFFC0, s26  }
0x7c: {  	p2 =	sgt.s32 s0, $0x13F;
	s30 =	ssub.s32 $0x500, s29;
	_ =	swait.ge [sflag:s9], s2  }
0x7d: {  	s2 =	ssub.s32 $0x0, s2;
	[sflag:s9] =	ssyncset.done $0x0;
	s0 =	sshrl.u32 s30, $0x2  }
0x7e: {  	[sflag:s9] =	ssyncadd.s32 s2;
	s0 =	simm.s32 @p2 $0x0  }
0x7f: {  	_ =	swait.ge [sflag:s10], s0  }
0x80: {  	s0 =	ssub.s32 $0x0, s0;
	[sflag:s10] =	ssyncset.done $0x0  }
0x81: {  	[sflag:s10] =	ssyncadd.s32 s0  }
0x82: {  	v1 =	vld [tilespmem:$0xA108];
	_ =	sdelay $0x4  }
0x83: {  	(v2sf) =	vpush v1, $0x0  }
0x84: {  	(v2sf) =	vpush v1, $0x1  }
0x85: {  	(v2sf) =	vpush v1, $0x2;
	_ =	sdelay $0x3  }
0x86: {  	s0 =	sadd.s32 $0x140, s20  }
0x87: {  	p2 =	slt.s32 s7, s0  }
0x88: {  	s0 =	smov.u32 @p2 s7;
	p2 =	sgt.s32 s8, $0x0  }
0x89: {  	s24 =	ssub.s32 s0, s20;
	s8 =	simm.s32 @!p2 $0x0  }
0x8a: {  	p2 =	slt.s32 s8, s24  }
0x8b: {  	s24 =	smov.u32 @p2 s8  }
0x8c: {  	s23 =	simm.s32 $0x1;
	p2 =	slt.s32 s24, $0x1  }
.Ltmp10:
0x8d: {  	s23 =	simm.s32 @!p1 $0x0;
	(pc) =	sbr.rel @p2 .LBB2_14-.Ltmp10, $4  }
0x8e: {  	s31 =	smul.u32 $0x500, s23  }
0x8f: {  	s25 =	spop (v2sf)  }
0x90: {  	s0 =	sshrl.u32 s31, $0x2;
	s28 =	spop (v2sf)  }
0x91: {  	s21 =	sadd.s32 $0xACF8, s0;
	s20 =	spop (v2sf)  }
0x92: {  	s0 =	smin.u32 s24, $0x10  }
0x93: {  	v1 =	vmov s0  }
0x94: {  	p3 =	sgt.s32 s24, $0x10;
	vm1 =	vgt.u32 v1, v0  }
.Ltmp11:
0x95: {  	_ = 	snop;
	(pc) =	sbr.rel @!p3 .LBB2_13-.Ltmp11, $2  }
0x96: {  	_ =	sdelay $0x2  }
0x97: {  	s26 =	simm.s32 $0x10;
	s29 =	sadd.s32 $0xFFFFFFF0, s24;
	s22 =	smov.u32 s21;
	vm0 =	vmmov vm1  }
.LBB2_12:
0x98: {  	s0 =	smin.u32 s29, $0x10;
	s26 =	sadd.s32 $0x10, s26;
	v1 =	vld.msk [tilespmem:s22+$0x0 ss:$0x1], vm1  }
0x99: {  	v2 =	vmov s0;
	p3 =	slt.s32 s26, s24  }
0x9a: {  	vm1 =	vgt.u32 v2, v0  }
.Ltmp12:
0x9b: {  	(pc) =	sbr.rel @p3 .LBB2_12-.Ltmp12, $3  }
0x9c: {  	_ =	sdelay $0x1  }
0x9d: {  	v1 =	vshll.u32 v1, $0x4  }
0x9e: {  	s29 =	sadd.s32 $0xFFFFFFF0, s29;
	[tilespmem:s22+$0x0] =	vst.msk vm0, v1;
	s22 =	sadd.s32 $0x10, s22;
	vm0 =	vmmov vm1  }
.LBB2_13:
0x9f: {  	_ =	sdelay $0x4  }
0xa0: {  	v1 =	vld.msk [tilespmem:s22+$0x0 ss:$0x1], vm1;
	_ =	sdelay $0x4  }
0xa1: {  	v1 =	vshll.u32 v1, $0x4  }
0xa2: {  	[tilespmem:s22+$0x0] =	vst.msk vm0, v1  }
.LBB2_14:
0xa3: {  	s0 =	sand.u32 $0x1, s19  }
0xa4: {  	s0 =	smul.u32 $0x140, s0  }
0xa5: {  	p3 =	sne.s32 s28, $0xFFFFFFFF  }
0xa6: {  	v1 =	vld.msk @!p3 [tilespmem:s0+$0xACF8], $0x1;
	_ =	sdelay $0x4  }
0xa7: {  	(v2sf) =	vpush @!p3 v1, $0x0;
	_ =	sdelay $0xc  }
.Ltmp13:
0xa8: {  	_ = 	snop;
	(pc) =	sbr.rel @p2 .LBB2_25-.Ltmp13, $4  }
0xa9: {  	_ = 	snop  }
0xaa: {  	s26 =	spop @!p3 (v2sf)  }
0xab: {  	s20 =	simm.s32 @!p3 $0x0;
	s22 =	smov.u32 s26  }
0xac: {  	[sflag:s16] =	ssyncpa.u1 $0x0;
	s26 =	smov.u32 @p3 s25;
	s22 =	smov.u32 @p3 s28  }
0xad: {  	v1 =	vld.msk [tilespmem:s21+$0x0], $0x1;
	_ =	sdelay $0x4  }
0xae: {  	(v2sf) =	vpush v1, $0x0;
	_ =	sdelay $0xe  }
0xaf: {  	s0 =	smul.u32 $0x28000, s23;
	s30 =	spop (v2sf)  }
0xb0: {  	s24 =	ssub.s32 $0x0, s24;
	p2 =	seq.s32 s26, s30  }
0xb1: {  	s28 =	sadd.s32 $0x1, s24;
	s0 =	sshrl.u32 s0, $0x2;
	p3 =	sgt.s32 @!p2 s26, $0x0  }
0xb2: {  	s23 =	sadd.s32 $0xAF98, s0;
	s0 =	smov.u32 s26;
	p3 =	por !p3, p2  }
0xb3: {  	s0 =	simm.s32 @p3 $0x0;
	p3 =	seq.s32 s28, $0x0  }
.Ltmp14:
0xb4: {  	_ = 	snop;
	(pc) =	sbr.rel @p3 .LBB2_17-.Ltmp14, $4  }
0xb5: {  	_ = 	snop  }
0xb6: {  	s25 =	simm.s32 $0x0;
	s31 =	simm.s32 @!p2 $0x1;
	s2 =	smin.u32 @!p2 s0, $0x270F8  }
0xb7: {  	s29 =	sadd.s32 $0x1, s21;
	s31 =	smov.u32 @p2 s25;
	s8 =	sand.u32 @!p2 $0x3FFF8, s2  }
0xb8: {  	s0 =	simm.s32 @!p2 $0x50C8;
	s2 =	sand.u32 @!p2 $0x7, s2;
	s8 =	sadd.s32 @!p2 s1, s8  }
.LBB2_16:
0xb9: {  	s9 =	smov.u32 s31  }
0xba: {  	[tilespmem:s0], [sflag:$0x2] =	stream.linear.gather @!p2 [hbm4b:s8+s2], $0x40, $0x38;
	[tilespmem:$0x1EF78] =	vst v63  }
0xbb: {  	s28 =	sadd.s32 $0x1, s28;
	s2 =	smov.u32 s30;
	v1 =	vld.msk [tilespmem:s29+$0x0], $0x1  }
0xbc: {  	p3 =	seq.s32 s28, $0x0;
	_ =	sdelay $0x3  }
0xbd: {  	(v2sf) =	vpush v1, $0x0;
	_ =	sdelay $0xe  }
0xbe: {  	s30 =	spop (v2sf)  }
0xbf: {  	p2 =	seq.s32 s2, s30  }
0xc0: {  	p4 =	sgt.s32 @!p2 s2, $0x0;
	s0 =	sshll.u32 @!p2 s31, $0x8;
	s31 =	sadd.s32 @!p2 $0x1, s31  }
.Ltmp15:
0xc1: {  	p4 =	por !p4, p2;
	s0 =	sshra.s32 @!p2 s0, $0x2;
	(pc) =	sbr.rel @!p3 .LBB2_16-.Ltmp15, $4  }
0xc2: {  	s31 =	smov.u32 @p2 s9;
	s2 =	simm.s32 @p4 $0x0;
	s0 =	sadd.s32 @!p2 $0x50C8, s0  }
0xc3: {  	s2 =	smin.u32 @!p2 s2, $0x270F8  }
0xc4: {  	s8 =	sand.u32 @!p2 $0x3FFF8, s2;
	s2 =	sand.u32 @!p2 $0x7, s2  }
0xc5: {  	s29 =	sadd.s32 $0x1, s29;
	s8 =	sadd.s32 @!p2 s1, s8  }
.LBB2_17:
0xc6: {  	[tilespmem:s0], [sflag:$0x2] =	stream.linear.gather @!p2 [hbm4b:s8+s2], $0x40, $0x38;
	[tilespmem:$0x1EF78] =	vst v63  }
.Ltmp16:
0xc7: {  	s30 =	sshll.u32 s31, $0x6;
	(pc) =	sbr.rel .LBB2_18-.Ltmp16, $4  }
0xc8: {  	s31 =	simm.s32 $0x2;
	s0 =	sand.u32 $0x3FFFFFC0, s30  }
0xc9: {  	_ =	swait.ge [sflag:s31], s0  }
0xca: {  	s0 =	ssub.s32 $0x0, s0;
	[sflag:s31] =	ssyncset.done $0x0  }
0xcb: {  	s29 =	simm.s32 $0x0;
	[sflag:s31] =	ssyncadd.s32 s0  }
.LBB2_19:
0xcc: {  	v1 =	vld [tilespmem:s23+$0xFFFFFFE0];
	_ =	sdelay $0x4  }
0xcd: {  	[tilespmem:s30+$0x88] =	vst.add.f32.msk $0xffff, v1  }
0xce: {  	v1 =	vld [tilespmem:s23+$0xFFFFFFF0];
	_ =	sdelay $0x4  }
0xcf: {  	[tilespmem:s30+$0x98] =	vst.add.f32.msk $0xffff, v1  }
0xd0: {  	v1 =	vld [tilespmem:s23+$0x0];
	_ =	sdelay $0x4  }
0xd1: {  	[tilespmem:s30+$0xA8] =	vst.add.f32.msk $0xffff, v1  }
0xd2: {  	v1 =	vld [tilespmem:s23+$0x10];
	_ =	sdelay $0x4  }
0xd3: {  	[tilespmem:s30+$0xB8] =	vst.add.f32.msk $0xffff, v1  }
.LBB2_23:
0xd4: {  	s24 =	sadd.s32 $0x1, s24  }
0xd5: {  	p2 =	seq.s32 s24, $0x0  }
.Ltmp17:
0xd6: {  	_ = 	snop;
	(pc) =	sbr.rel @p2 .LBB2_24-.Ltmp17, $2  }
0xd7: {  	_ =	sdelay $0x2  }
0xd8: {  	s23 =	sadd.s32 $0x80, s23;
	s21 =	sadd.s32 $0x1, s21;
	s26 =	smov.u32 s28  }
.LBB2_18:
0xd9: {  	v1 =	vld.msk [tilespmem:s21+$0x0], $0x1;
	_ =	sdelay $0x4  }
0xda: {  	(v2sf) =	vpush v1, $0x0;
	_ =	sdelay $0xe  }
0xdb: {  	s28 =	spop (v2sf)  }
0xdc: {  	p2 =	sne.s32 s26, s28  }
.Ltmp18:
0xdd: {  	_ = 	snop;
	(pc) =	sbr.rel @!p2 .LBB2_19-.Ltmp18, $3  }
0xde: {  	_ =	sdelay $0x1  }
0xdf: {  	s0 =	sshll.u32 s20, $0x8  }
0xe0: {  	s30 =	sshra.s32 s0, $0x2  }
0xe1: {  	p2 =	seq.s32 s26, s22  }
.Ltmp19:
0xe2: {  	_ = 	snop;
	(pc) =	sbr.rel @!p2 .LBB2_21-.Ltmp19, $1  }
0xe3: {  	_ =	sdelay $0x3  }
.Ltmp20:
0xe4: {  	s0 =	sadd.s32 $0x88, s30;
	(pc) =	sbr.rel .LBB2_22-.Ltmp20, $4  }
0xe5: {  	[spmem:s13] =	stream.linear.scatter [tilespmem:s0], [sflag:$0x1], $0x40, $0x38;
	[tilespmem:$0x1EF78] =	vst v63  }
0xe6: {  	_ =	swait.ge [sflag:s11], $0x40  }
0xe7: {  	[sflag:s11] =	ssyncset.done $0x0  }
0xe8: {  	[sflag:s11] =	ssyncadd.s32 $0xFFFFFFC0  }
.LBB2_21:
0xe9: {  	s0 =	sshll.u32 s25, $0x8  }
0xea: {  	s0 =	sshra.s32 s0, $0x2  }
0xeb: {  	v1 =	vld [tilespmem:s0+$0x50C8];
	_ =	sdelay $0x4  }
0xec: {  	[tilespmem:s30+$0x88] =	vst.add.f32.msk $0xffff, v1  }
0xed: {  	v1 =	vld [tilespmem:s0+$0x50D8];
	_ =	sdelay $0x4  }
0xee: {  	[tilespmem:s30+$0x98] =	vst.add.f32.msk $0xffff, v1  }
0xef: {  	v1 =	vld [tilespmem:s0+$0x50E8];
	_ =	sdelay $0x4  }
0xf0: {  	[tilespmem:s30+$0xA8] =	vst.add.f32.msk $0xffff, v1  }
0xf1: {  	v1 =	vld [tilespmem:s0+$0x50F8];
	_ =	sdelay $0x2  }
0xf2: {  	p2 =	sgt.u32 s26, $0x270F8  }
0xf3: {  	s0 =	sand.u32 @!p2 $0x3FFF8, s26  }
0xf4: {  	s2 =	sadd.s32 $0x88, s30;
	s8 =	sand.u32 @!p2 $0x7, s26;
	s0 =	sadd.s32 @!p2 s1, s0;
	[tilespmem:s30+$0xB8] =	vst.add.f32.msk $0xffff, v1  }
0xf5: {  	[hbm4b:s0+s8] =	stream.linear.scatter @!p2 [tilespmem:s2], [sflag:$0xA], $0x40, $0x38;
	[tilespmem:$0x1EF78] =	vst v63  }
0xf6: {  	s0 =	simm.s32 $0x0  }
0xf7: {  	s0 =	simm.s32 @!p2 $0x100  }
0xf8: {  	s29 =	sadd.s32 s0, s29  }
.LBB2_22:
0xf9: {  	s0 =	sadd.s32 $0x1, s20  }
0xfa: {  	s2 =	smulhi.u32 $0xCCCCCCCD, s0;
	_ =	sdelay $0x1  }
0xfb: {  	v1 =	vld [tilespmem:s23+$0xFFFFFFE0];
	s2 =	sshrl.u32 s2, $0x8  }
0xfc: {  	s2 =	smul.u32 $0x140, s2;
	_ =	sdelay $0x1  }
0xfd: {  	s20 =	ssub.s32 s0, s2  }
0xfe: {  	s0 =	sshll.u32 s20, $0x6  }
0xff: {  	[tilespmem:s0+$0x88] =	vst v1  }
0x100: {  	v1 =	vld [tilespmem:s23+$0xFFFFFFF0];
	_ =	sdelay $0x4  }
0x101: {  	[tilespmem:s0+$0x98] =	vst v1  }
0x102: {  	v1 =	vld [tilespmem:s23+$0x0];
	_ =	sdelay $0x4  }
0x103: {  	[tilespmem:s0+$0xA8] =	vst v1  }
0x104: {  	v1 =	vld [tilespmem:s23+$0x10]  }
.Ltmp21:
0x105: {  	_ = 	snop;
	(pc) =	sbr.rel .LBB2_23-.Ltmp21, $2  }
0x106: {  	_ =	sdelay $0x2  }
0x107: {  	s25 =	sadd.s32 $0x1, s25;
	[tilespmem:s0+$0xB8] =	vst v1  }
.LBB2_25:
.Ltmp22:
0x108: {  	(pc) =	sbr.rel .LBB2_26-.Ltmp22, $4  }
0x109: {  	_ = 	snop  }
0x10a: {  	s0 =	simm.s32 $0x2  }
0x10b: {  	_ =	swait.ge [sflag:s0], $0x0  }
0x10c: {  	s28 =	smov.u32 s26;
	[sflag:s0] =	ssyncset.done $0x0;
	s0 =	simm.s32 $0x0  }
.LBB2_28:
0x10d: {  	_ =	sfence.sel $0x180000  }
0x10e: {  	s0 =	simm.s32 $0x7;
	[bflag:$0x0] =	sbarrier.arrive $0xFFFF  }
0x10f: {  	s25 =	simm.s32 $0x8;
	[sflag:s0] =	ssyncpa.u1 $0x1  }
0x110: {  	s26 =	simm.s32 $0x9;
	[sflag:s25] =	ssyncpa.u1 $0x1  }
0x111: {  	s28 =	simm.s32 $0x2;
	[sflag:s26] =	ssyncpa.u1 $0x1  }
0x112: {  	[sflag:s28] =	ssyncpa.u1 $0x1  }
0x113: {  	v0 =	vld [tilespmem:$0xA108];
	_ =	sdelay $0x4  }
0x114: {  	(v2sf) =	vpush v0, $0x0  }
0x115: {  	(v2sf) =	vpush v0, $0x1;
	_ =	sdelay $0x1  }
0x116: {  	(v2sf) =	vpush v0, $0x2;
	_ =	sdelay $0xb  }
0x117: {  	s0 =	spop (v2sf)  }
0x118: {  	s2 =	spop (v2sf)  }
0x119: {  	s3 =	smov.u32 s0;
	p0 =	sne.s32 s0, s2  }
0x11a: {  	s4 =	spop (v2sf);
	s3 =	simm.s32 @!p0 $0xFFFFFFFF  }
0x11b: {  	v2 =	vimm.s32 $0x1;
	v3 =	vlaneseq.u32;
	p0 =	seq.s32 s4, $0xFFFFFFFF;
	v1 =	vmov s3  }
0x11c: {  	s7 =	stileid.u32;
	v0 =	vperm.xlane v0, v2;
	p1 =	sne.s32 @!p0 s0, s2;
	v1 =	vperm.xlane v1, v3  }
0x11d: {  	vm0 =	vcmask $0x3F04;
	s6 =	simm.s32 $0xA108;
	s0 =	simm.s32 @!p0 $0x1;
	p1 =	por !p1, p0  }
0x11e: {  	s3 =	sshll.u32 s7, $0x1;
	s2 =	sshll.u32 @!p0 s4, $0x8;
	s0 =	simm.s32 @p1 $0x0;
	v0 =	vsel vm0, v1, v0  }
0x11f: {  	s5 =	sor.u32 $0x800, s3;
	s2 =	sshra.s32 @!p0 s2, $0x2;
	s0 =	sor.u32 @!p0 s0, s3;
	[tilespmem:$0xA108] =	vst v0  }
0x120: {  	[spmem:s5] =	stream.linear.scatter [tilespmem:s6], [sflag:$0x1], $0x2, $0x38;
	[tilespmem:$0x1EF78] =	vst v63  }
0x121: {  	s2 =	sadd.s32 @!p0 $0x88, s2;
	s0 =	sshll.u32 @!p0 s0, $0x6  }
0x122: {  	[spmem:s0] =	stream.linear.scatter @!p0 [tilespmem:s2], [sflag:$0x1], $0x40, $0x38;
	[tilespmem:$0x1EF78] =	vst v63  }
0x123: {  	s2 =	simm.s32 @!p0 $0x42  }
0x124: {  	s0 =	simm.s32 $0x1;
	s2 =	simm.s32 @p0 $0x2  }
0x125: {  	_ =	swait.ge [sflag:s0], s2  }
0x126: {  	s2 =	ssub.s32 $0x0, s2;
	[sflag:s0] =	ssyncset.done $0x0  }
0x127: {  	[sflag:s0] =	ssyncadd.s32 s2  }
0x128: {  	_ =	sfence.stream.spmem  }
0x129: {  	s29 =	simm.s32 $0x3;
	[bflag:$0x0] =	sbarrier.arrive $0xFFFF  }
0x12a: {  	s30 =	simm.s32 $0x4;
	[sflag:s29] =	ssyncpa.u1 $0x1  }
0x12b: {  	s31 =	simm.s32 $0x3C;
	[sflag:s30] =	ssyncpa.u1 $0x1  }
0x12c: {  	p0 =	sne.s32 s7, $0x0;
	[sflag:s31] =	ssyncpa.u1 $0x1  }
0x12d: {  	_ =	sfence @p0  }
0x12e: {  	[sflag:s0] =	ssyncpa.u1 @p0 $0x1  }
0x12f: {  	_ =	strace @p0 $0x9000004A  }
0x130: {  	[bflag:$0x2] =	sbarrier.arrive @p0 $0xFFFF  }
0x131: {  	_ =	shalt @p0  }
.LBB2_29:
0x132: {  	_ =	sfence.stream.spmem;
	s0 =	simm.s32 $0x5  }
0x133: {  	s2 =	simm.s32 $0x800;
	s3 =	simm.s32 $0xA118;
	[sflag:s0] =	ssyncpa.u1 $0x0  }
0x134: {  	[tilespmem:s3], [sflag:$0x5] =	stream.linear.gather [spmem:s2], $0x20, $0x38;
	[tilespmem:$0x1EF78] =	vst v63  }
0x135: {  	s30 =	simm.s32 $0xA138;
	s2 =	simm.s32 $0x0  }
0x136: {  	[tilespmem:s30], [sflag:$0x5] =	stream.linear.gather [spmem:s2], $0x800, $0x38;
	[tilespmem:$0x1EF78] =	vst v63  }
.Ltmp23:
0x137: {  	_ = 	snop;
	(pc) =	sbr.rel .LBB2_30-.Ltmp23, $4  }
0x138: {  	_ =	swait.ge [sflag:s0], $0x820  }
0x139: {  	[sflag:s0] =	ssyncset.done $0x0  }
0x13a: {  	s31 =	simm.s32 $0x6;
	[sflag:s0] =	ssyncadd.s32 $0xFFFFF7E0  }
0x13b: {  	s3 =	simm.s32 $0x0;
	[sflag:s31] =	ssyncpa.u1 $0x0  }
.LBB2_36:
0x13c: {  	p0 =	slt.u32 s4, $0x270F9  }
0x13d: {  	s0 =	sand.u32 @p0 $0x3FFF8, s4  }
0x13e: {  	s4 =	sand.u32 @p0 $0x7, s4;
	s5 =	simm.s32 @p0 $0xA0C8;
	s0 =	sadd.s32 @p0 s1, s0  }
0x13f: {  	[tilespmem:s5], [sflag:$0x6] =	stream.linear.gather @p0 [hbm4b:s0+s4], $0x40, $0x38;
	[tilespmem:$0x1EF78] =	vst v63  }
0x140: {  	s0 =	simm.s32 @p0 $0x6  }
0x141: {  	_ =	swait.ge @p0 [sflag:s0], $0x40  }
0x142: {  	[sflag:s0] =	ssyncset.done @p0 $0x0  }
0x143: {  	[sflag:s0] =	ssyncadd.s32 @p0 $0xFFFFFFC0  }
0x144: {  	v1 =	vld @p0 [tilespmem:$0xA0C8];
	_ =	sdelay $0x2  }
0x145: {  	s0 =	sshll.u32 @p0 s3, $0x8  }
0x146: {  	s4 =	sshrl.u32 @p0 s0, $0x2  }
0x147: {  	[tilespmem:s4+$0xA138] =	vst.add.f32.msk @p0 $0xffff, v1  }
0x148: {  	v1 =	vld @p0 [tilespmem:$0xA0D8];
	_ =	sdelay $0x4  }
0x149: {  	[tilespmem:s4+$0xA148] =	vst.add.f32.msk @p0 $0xffff, v1  }
0x14a: {  	v1 =	vld @p0 [tilespmem:$0xA0E8];
	_ =	sdelay $0x4  }
0x14b: {  	[tilespmem:s4+$0xA158] =	vst.add.f32.msk @p0 $0xffff, v1  }
0x14c: {  	v1 =	vld @p0 [tilespmem:$0xA0F8];
	_ =	sdelay $0x3  }
0x14d: {  	s5 =	sshll.u32 @!p0 s3, $0x8  }
0x14e: {  	s5 =	smov.u32 @p0 s0;
	[tilespmem:s4+$0xA168] =	vst.add.f32.msk @p0 $0xffff, v1  }
0x14f: {  	s0 =	sshrl.u32 s5, $0x2;
	[tilespmem:s2+$0xA118] =	vst.msk $0x1, v0  }
0x150: {  	v0 =	vld [tilespmem:s0+$0xA138];
	_ =	sdelay $0x2  }
0x151: {  	s31 =	sshll.u32 s2, $0x8  }
0x152: {  	s4 =	sshra.s32 s31, $0x2  }
0x153: {  	[tilespmem:s4+$0xA138] =	vst v0  }
0x154: {  	v0 =	vld [tilespmem:s0+$0xA148];
	_ =	sdelay $0x4  }
0x155: {  	[tilespmem:s4+$0xA148] =	vst v0  }
0x156: {  	v0 =	vld [tilespmem:s0+$0xA158];
	_ =	sdelay $0x4  }
0x157: {  	[tilespmem:s4+$0xA158] =	vst v0  }
0x158: {  	v0 =	vld [tilespmem:s0+$0xA168];
	_ =	sdelay $0x4  }
0x159: {  	s2 =	sadd.s32 $0x1, s2;
	[tilespmem:s4+$0xA168] =	vst v0  }
.LBB2_37:
0x15a: {  	s3 =	sadd.s32 $0x1, s3  }
0x15b: {  	p0 =	sne.s32 s3, $0x20  }
.Ltmp24:
0x15c: {  	_ = 	snop;
	(pc) =	sbr.rel @!p0 .LBB2_38-.Ltmp24, $1  }
0x15d: {  	_ =	sdelay $0x3  }
.LBB2_30:
0x15e: {  	v0 =	vld.msk [tilespmem:s3+$0xA118], $0x1;
	_ =	sdelay $0x4  }
0x15f: {  	(v2sf) =	vpush v0, $0x0;
	_ =	sdelay $0xe  }
0x160: {  	s4 =	spop (v2sf)  }
0x161: {  	p0 =	seq.s32 s4, $0xFFFFFFFF  }
.Ltmp25:
0x162: {  	_ = 	snop;
	(pc) =	sbr.rel @p0 .LBB2_37-.Ltmp25, $1  }
0x163: {  	_ =	sdelay $0x3  }
0x164: {  	p0 =	slt.s32 s2, $0x1  }
.Ltmp26:
0x165: {  	_ = 	snop;
	(pc) =	sbr.rel @p0 .LBB2_36-.Ltmp26, $1  }
0x166: {  	_ =	sdelay $0x3  }
0x167: {  	s5 =	simm.s32 $0xA118;
	p0 =	por $0x0, $0x0  }
0x168: {  	v1 =	vld.msk @!p0 [tilespmem:s5+$0x0], $0x1;
	_ =	sdelay $0x4  }
0x169: {  	(v2sf) =	vpush @!p0 v1, $0x0;
	_ =	sdelay $0xd  }
0x16a: {  	p2 =	sne.s32 s2, $0x1  }
.Ltmp27:
0x16b: {  	s0 =	spop @!p0 (v2sf);
	(pc) =	sbr.rel @!p2 .LBB2_34-.Ltmp27, $4  }
0x16c: {  	p1 =	seq.s32 @!p0 s4, s0  }
0x16d: {  	s6 =	simm.s32 $0x0;
	p1 =	por !p1, p0  }
0x16e: {  	s0 =	simm.s32 $0xFFFFFFFF;
	s6 =	simm.s32 @p1 $0xFFFFFFFF  }
0x16f: {  	s7 =	simm.s32 $0x1;
	s6 =	smov.u32 @p0 s0  }
.LBB2_33:
0x170: {  	s0 =	smov.u32 s6;
	p0 =	sne.s32 s6, $0xFFFFFFFF  }
0x171: {  	s5 =	sadd.s32 $0x1, s5;
	s6 =	smov.u32 s7;
	s7 =	sadd.s32 $0x1, s7  }
0x172: {  	p1 =	sne.s32 s2, s7;
	v1 =	vld.msk @!p0 [tilespmem:s5+$0x0], $0x1;
	_ =	sdelay $0x4  }
0x173: {  	(v2sf) =	vpush @!p0 v1, $0x0;
	_ =	sdelay $0xe  }
.Ltmp28:
0x174: {  	s8 =	spop @!p0 (v2sf);
	(pc) =	sbr.rel @p1 .LBB2_33-.Ltmp28, $4  }
0x175: {  	p2 =	seq.s32 @!p0 s4, s8  }
0x176: {  	p2 =	por !p2, p0  }
0x177: {  	s6 =	simm.s32 @p2 $0xFFFFFFFF  }
0x178: {  	s6 =	smov.u32 @p0 s0  }
.LBB2_34:
0x179: {  	p0 =	seq.s32 s6, $0xFFFFFFFF  }
.Ltmp29:
0x17a: {  	_ = 	snop;
	(pc) =	sbr.rel @p0 .LBB2_36-.Ltmp29, $1  }
0x17b: {  	_ =	sdelay $0x3  }
0x17c: {  	s0 =	sshll.u32 s3, $0x6  }
0x17d: {  	s0 =	sand.u32 $0x3FFFFFC0, s0  }
0x17e: {  	v0 =	vld [tilespmem:s0+$0xA138];
	_ =	sdelay $0x2  }
0x17f: {  	s4 =	sshll.u32 s6, $0x8  }
0x180: {  	s4 =	sshra.s32 s4, $0x2  }
0x181: {  	[tilespmem:s4+$0xA138] =	vst.add.f32.msk $0xffff, v0  }
0x182: {  	v0 =	vld [tilespmem:s0+$0xA148];
	_ =	sdelay $0x4  }
0x183: {  	[tilespmem:s4+$0xA148] =	vst.add.f32.msk $0xffff, v0  }
0x184: {  	v0 =	vld [tilespmem:s0+$0xA158];
	_ =	sdelay $0x4  }
0x185: {  	[tilespmem:s4+$0xA158] =	vst.add.f32.msk $0xffff, v0  }
0x186: {  	v0 =	vld [tilespmem:s0+$0xA168]  }
.Ltmp30:
0x187: {  	_ = 	snop;
	(pc) =	sbr.rel .LBB2_37-.Ltmp30, $2  }
0x188: {  	_ =	sdelay $0x2  }
0x189: {  	[tilespmem:s4+$0xA168] =	vst.add.f32.msk $0xffff, v0  }
.LBB2_38:
0x18a: {  	p0 =	slt.s32 s2, $0x1  }
.Ltmp31:
0x18b: {  	_ = 	snop;
	(pc) =	sbr.rel @p0 .LBB2_42-.Ltmp31, $3  }
0x18c: {  	_ =	sdelay $0x1  }
0x18d: {  	s0 =	simm.s32 $0x6  }
0x18e: {  	s3 =	simm.s32 $0x0;
	[sflag:s0] =	ssyncpa.u1 $0x1  }
0x18f: {  	s0 =	simm.s32 $0xA118  }
0x190: {  	v0 =	vld.msk [tilespmem:s0+$0x0], $0x1;
	_ =	sdelay $0x4  }
0x191: {  	(v2sf) =	vpush v0, $0x0;
	_ =	sdelay $0xe  }
0x192: {  	s2 =	sadd.s32 $0xFFFFFFFF, s2;
	s0 =	spop (v2sf)  }
0x193: {  	p1 =	sne.s32 s2, $0x0;
	p0 =	sgt.u32 s0, $0x270F8  }
.Ltmp32:
0x194: {  	s5 =	sand.u32 @!p0 $0x3FFF8, s0;
	(pc) =	sbr.rel @!p1 .LBB2_41-.Ltmp32, $4  }
0x195: {  	s4 =	simm.s32 $0xA138;
	s0 =	sand.u32 @!p0 $0x7, s0;
	s5 =	sadd.s32 @!p0 s1, s5  }
0x196: {  	[hbm4b:s5+s0] =	stream.linear.scatter @!p0 [tilespmem:s4], [sflag:$0x5], $0x40, $0x38;
	[tilespmem:$0x1EF78] =	vst v63  }
0x197: {  	s0 =	simm.s32 $0x0  }
0x198: {  	s5 =	simm.s32 $0xA119;
	s0 =	simm.s32 @!p0 $0x100  }
.LBB2_40:
0x199: {  	v0 =	vld.msk [tilespmem:s5+$0x0], $0x1;
	s2 =	sadd.s32 $0xFFFFFFFF, s2;
	s3 =	sadd.s32 s3, s0  }
0x19a: {  	p0 =	sne.s32 s2, $0x0;
	_ =	sdelay $0x3  }
0x19b: {  	(v2sf) =	vpush v0, $0x0;
	_ =	sdelay $0xe  }
.Ltmp33:
0x19c: {  	s6 =	spop (v2sf);
	(pc) =	sbr.rel @p0 .LBB2_40-.Ltmp33, $4  }
0x19d: {  	s0 =	simm.s32 $0x0;
	p1 =	sgt.u32 s6, $0x270F8  }
0x19e: {  	s4 =	sadd.s32 $0x40, s4;
	s0 =	simm.s32 @!p1 $0x100;
	s7 =	sand.u32 @!p1 $0x3FFF8, s6  }
0x19f: {  	s5 =	sadd.s32 $0x1, s5;
	s6 =	sand.u32 @!p1 $0x7, s6;
	s7 =	sadd.s32 @!p1 s1, s7  }
0x1a0: {  	[hbm4b:s7+s6] =	stream.linear.scatter @!p1 [tilespmem:s4], [sflag:$0x5], $0x40, $0x38;
	[tilespmem:$0x1EF78] =	vst v63  }
.LBB2_41:
0x1a1: {  	s0 =	sadd.s32 s3, s0  }
0x1a2: {  	s3 =	sshrl.u32 s0, $0x2  }
.LBB2_42:
0x1a3: {  	s0 =	simm.s32 $0x5  }
0x1a4: {  	_ =	swait.ge [sflag:s0], s3  }
0x1a5: {  	s1 =	ssub.s32 $0x0, s3;
	[sflag:s0] =	ssyncset.done $0x0  }
0x1a6: {  	[sflag:s0] =	ssyncadd.s32 s1  }
0x1a7: {  	[sflag:s0] =	ssyncpa.u1 $0x1  }
0x1a8: {  	s30 =	simm.s32 $0x1;
	_ =	sfence  }
0x1a9: {  	[sflag:s30] =	ssyncpa.u1 $0x1  }
0x1aa: {  	_ =	strace $0x9000004A  }
0x1ab: {  	[bflag:$0x2] =	sbarrier.arrive $0xFFFF  }
0x1ac: {  	s31 =	rddreg [dreg:$0x1]  }
0x1ad: {  	s0 =	sadd.s32 $0x100000, s31  }
0x1ae: {  	[sflag:s0] =	ssyncadd.tile.s32 $0x1;
	_ =	shalt  }
.Lfunc_end2:
_tile_overlayer_lowered:
.L_overlay_start_2:
0x1af: {  	(tag) =	ssettag $0x2  }
0x1b0: {  	s0 =	rddreg [dreg:$0x0];
	s2 =	stileid.u32  }
0x1b1: {  	s1 =	rddreg [dreg:$0x1];
	p0 =	sne.s32 s2, $0x0  }
0x1b2: {  	s3 =	rddreg [dreg:$0x2];
	[bflag:$0x3] =	sbarrier.arrive $0xFFFF;
	s2 =	simm.s32 @!p0 $0x1C01  }
0x1b3: {  	[timem:s3], [sflag:s2] =	dma.local @!p0 [hbm:s0], s1  }
0x1b4: {  	s0 =	simm.s32 @!p0 $0x1  }
0x1b5: {  	_ =	swait.ge @!p0 [sflag:s0], s1  }
0x1b6: {  	s1 =	ssub.s32 @!p0 $0x0, s1;
	[sflag:s0] =	ssyncset.done @!p0 $0x0  }
0x1b7: {  	[sflag:s0] =	ssyncadd.s32 @!p0 s1  }
0x1b8: {  	[bflag:$0x3] =	sbarrier.arrive $0xFFFF  }
0x1b9: {  	_ =	shalt  }

// kernel: scatter_offload_async_start.2
scs
__scs_entry_jumppad:
0x0: {  	(pc) =	sbr.rel $0x88, $3  }
0x1: {  	(tag) =	ssettag $0x0;
	lr =	simm.s32 $0x1  }
0x2: {  	[smem:$0x3F8B] =	sst lr;
	_ =	strace $0xD0000000  }
0x3: {  	_ = 	snop  }
0x4: {  	_ = 	snop  }
0x5: {  	_ = 	snop  }
0x6: {  	_ = 	snop  }
0x7: {  	_ = 	snop  }
__scs_overlays_trampoline_lowered:
0x8: {  	[smem:$0x3F9A] =	sst s0  }
0x9: {  	[smem:$0x3F9B] =	sst s1  }
0xa: {  	[smem:$0x3F9C] =	sst s2  }
0xb: {  	[smem:$0x3F9D] =	sst s3  }
0xc: {  	[smem:$0x3F9E] =	sst s4  }
0xd: {  	[smem:$0x3F9F] =	sst s5  }
0xe: {  	[smem:$0x3FA0] =	sst s6  }
0xf: {  	[smem:$0x3FA1] =	sst s7  }
0x10: {  	[smem:$0x3FA2] =	sst s8  }
0x11: {  	[smem:$0x3FA3] =	sst s9;
	s0 =	simm.s32 @!p0 $0x0  }
0x12: {  	s1 =	sld [smem:$0x3F89];
	s0 =	simm.s32 @p0 $0x1  }
0x13: {  	[smem:$0x3FA4] =	sst s0;
	s0 =	simm.s32 @!p1 $0x0  }
0x14: {  	s2 =	sld [smem:$0x3F88];
	s0 =	simm.s32 @p1 $0x1  }
0x15: {  	[smem:$0x3FA5] =	sst s0;
	s0 =	simm.s32 @!p2 $0x0  }
0x16: {  	s3 =	sld [smem:$0x3FDB];
	s0 =	simm.s32 @p2 $0x1  }
0x17: {  	s4 =	simm.s32 $0x1BF5;
	[smem:$0x3FA7] =	sst s0  }
0x18: {  	s0 =	sld [smem:$0x3F8A];
	_ =	swait.ge [sflag:s4], $0x0  }
0x19: {  	s7 =	sld [smem:$0x3F8B]  }
0x1a: {  	s8 =	sadd.s32 $0xFFFFE003, lr  }
0x1b: {  	s9 =	sadd.s32 $0xFFFFFEF7, lr;
	s5 =	simm.s32 $0xFFFFFFFF;
	p2 =	slt.u32 s8, $0xFFFFF086  }
0x1c: {  	p1 =	slt.u32 s9, $0xF7A;
	s5 =	simm.s32 @!p2 $0x0  }
0x1d: {  	s5 =	simm.s32 @p1 $0x1;
	p0 =	seq.s32 s7, s2  }
0x1e: {  	s7 =	smul.u32 @!p0 $0xF7A, s2;
	p2 =	seq.s32 @!p0 s5, $0x0  }
0x1f: {  	s9 =	smul.u32 $0xF7A, s1;
	s8 =	simm.s32 @!p0 $0x1BF5;
	p2 =	por !p2, p0  }
0x20: {  	[sflag:s8] =	ssyncset.s32 @!p0 $0xFFFFF086;
	s6 =	sadd.s32 @!p0 s3, s7;
	s7 =	simm.s32 @!p0 $0x108  }
0x21: {  	s3 =	sadd.s32 s3, s9;
	s6 =	sadd.s32 @!p0 $0x88, s6;
	s7 =	simm.s32 @p2 $0x1082  }
0x22: {  	[simem:s7], [sflag:s8] =	dma.local @!p0 [hbm:s6], $0xF7A  }
0x23: {  	s9 =	sor.u32 $0xD0000000, s2;
	s6 =	simm.s32 $0x108;
	_ =	swait.ge @!p0 [sflag:s8], $0x0  }
0x24: {  	s3 =	sadd.s32 $0x88, s3;
	s6 =	simm.s32 @!p1 $0x1082;
	[sflag:s4] =	ssyncset.s32 $0xFFFFF086  }
0x25: {  	[simem:s6], [sflag:s4] =	dma.local [hbm:s3], $0xF7A  }
0x26: {  	[smem:$0x3F8B] =	sst s1;
	(tag) =	ssettag s2;
	_ =	strace s9  }
0x27: {  	s1 =	sld [smem:$0x3F9B]  }
0x28: {  	s2 =	sld [smem:$0x3F9C]  }
0x29: {  	s4 =	sld [smem:$0x3F9E]  }
0x2a: {  	p0 =	seq.s32 s5, $0x0;
	s5 =	sld [smem:$0x3F9F]  }
0x2b: {  	s6 =	sld [smem:$0x3FA0]  }
0x2c: {  	s7 =	sld [smem:$0x3FA1]  }
0x2d: {  	s3 =	simm.s32 $0x108;
	s8 =	sld [smem:$0x3FA2]  }
0x2e: {  	s3 =	simm.s32 @!p0 $0x1082;
	s9 =	sld [smem:$0x3FA3]  }
0x2f: {  	lr =	sadd.s32 s0, s3;
	s0 =	sld [smem:$0x3F9A]  }
0x30: {  	s3 =	sld [smem:$0x3F9D]  }
0x31: {  	[smem:$0x3FA6] =	sst s10  }
0x32: {  	s10 =	sld [smem:$0x3FA4];
	_ =	sdelay $0x3  }
0x33: {  	p0 =	seq.s32 s10, $0x1;
	s10 =	sld [smem:$0x3FA6];
	_ =	sdelay $0x3  }
0x34: {  	[smem:$0x3FA6] =	sst s10  }
0x35: {  	s10 =	sld [smem:$0x3FA5];
	_ =	sdelay $0x3  }
0x36: {  	p1 =	seq.s32 s10, $0x1;
	s10 =	sld [smem:$0x3FA6];
	_ =	sdelay $0x3  }
0x37: {  	[smem:$0x3FA6] =	sst s10  }
0x38: {  	s10 =	sld [smem:$0x3FA7]  }
0x39: {  	_ = 	snop;
	(pc) =	sbr.ind lr, $3  }
0x3a: {  	_ = 	snop  }
0x3b: {  	_ = 	snop  }
0x3c: {  	p2 =	seq.s32 s10, $0x1;
	s10 =	sld [smem:$0x3FA6]  }
0x3d: {  	_ =	shalt  }
0x3e: {  	_ =	shalt  }
0x3f: {  	_ =	shalt  }
0x40: {  	_ =	shalt  }
0x41: {  	_ =	shalt  }
0x42: {  	_ =	shalt  }
0x43: {  	_ =	shalt  }
0x44: {  	_ =	shalt  }
0x45: {  	_ =	shalt  }
0x46: {  	_ =	shalt  }
0x47: {  	_ =	shalt  }
0x48: {  	_ =	shalt  }
0x49: {  	_ =	shalt  }
0x4a: {  	_ =	shalt  }
0x4b: {  	_ =	shalt  }
0x4c: {  	_ =	shalt  }
0x4d: {  	_ =	shalt  }
0x4e: {  	_ =	shalt  }
0x4f: {  	_ =	shalt  }
0x50: {  	_ =	shalt  }
0x51: {  	_ =	shalt  }
0x52: {  	_ =	shalt  }
0x53: {  	_ =	shalt  }
0x54: {  	_ =	shalt  }
0x55: {  	_ =	shalt  }
0x56: {  	_ =	shalt  }
0x57: {  	_ =	shalt  }
0x58: {  	_ =	shalt  }
0x59: {  	_ =	shalt  }
0x5a: {  	_ =	shalt  }
0x5b: {  	_ =	shalt  }
0x5c: {  	_ =	shalt  }
0x5d: {  	_ =	shalt  }
0x5e: {  	_ =	shalt  }
0x5f: {  	_ =	shalt  }
0x60: {  	_ =	shalt  }
0x61: {  	_ =	shalt  }
0x62: {  	_ =	shalt  }
0x63: {  	_ =	shalt  }
0x64: {  	_ =	shalt  }
0x65: {  	_ =	shalt  }
0x66: {  	_ =	shalt  }
0x67: {  	_ =	shalt  }
0x68: {  	_ =	shalt  }
0x69: {  	_ =	shalt  }
0x6a: {  	_ =	shalt  }
0x6b: {  	_ =	shalt  }
0x6c: {  	_ =	shalt  }
0x6d: {  	_ =	shalt  }
0x6e: {  	_ =	shalt  }
0x6f: {  	_ =	shalt  }
0x70: {  	_ =	shalt  }
0x71: {  	_ =	shalt  }
0x72: {  	_ =	shalt  }
0x73: {  	_ =	shalt  }
0x74: {  	_ =	shalt  }
0x75: {  	_ =	shalt  }
0x76: {  	_ =	shalt  }
0x77: {  	_ =	shalt  }
0x78: {  	_ =	shalt  }
0x79: {  	_ =	shalt  }
0x7a: {  	_ =	shalt  }
0x7b: {  	_ =	shalt  }
0x7c: {  	_ =	shalt  }
0x7d: {  	_ =	shalt  }
0x7e: {  	_ =	shalt  }
0x7f: {  	_ =	shalt  }
0x80: {  	_ =	shalt  }
0x81: {  	_ =	shalt  }
0x82: {  	_ =	shalt  }
0x83: {  	_ =	shalt  }
0x84: {  	_ =	shalt  }
0x85: {  	_ =	shalt  }
0x86: {  	_ =	shalt  }
0x87: {  	_ =	shalt  }
.Lfunc_end0:
.L_simem_size_0:
called_computation.2_lowered:
.L_overlay_start_0:
0x88: {  	s0 =	sld [smem:$0x3FD9]  }
0x89: {  	s1 =	sld [smem:$0x3FFE];
	_ =	sdelay $0x3  }
0x8a: {  	s0 =	sadd.s32 s1, s0  }
0x8b: {  	[smem:$0x3FB2] =	sst s0  }
0x8c: {  	_ = 	snop  }
0x8d: {  	(tm) =	ssettm $0x1  }
0x8e: {  	s15 =	sld [smem:$0x3FFB];
	_ =	sdelay $0x3  }
0x8f: {  	_ =	strace s15  }
0x90: {  	s0 =	sld [smem:$0x3FFC];
	_ =	sdelay $0x3  }
0x91: {  	_ =	strace s0  }
0x92: {  	s0 =	sld [smem:$0x3FFD];
	_ =	sdelay $0x3  }
0x93: {  	_ =	strace s0  }
0x94: {  	_ =	strace $0x8FFFFFFF  }
0x95: {  	s16 =	sld [smem:$0x3FDB];
	_ =	sdelay $0x1  }
0x96: {  	s17 =	simm.s32 $_scs_section_size  }
0x97: {  	s2 =	simm.s32 $_size__tile_overlayer_lowered;
	s3 =	simm.s32 $_tile_overlayer_lowered  }
0x98: {  	s20 =	simm.s32 $0x1BFF;
	s19 =	sshll.u32 s3, $0x1;
	s0 =	sadd.s32 s17, s16  }
0x99: {  	s4 =	simm.s32 $0x0;
	s18 =	sshll.u32 s2, $0x1;
	s2 =	sadd.s32 s19, s0  }
0x9a: {  	[timem:s4], [sflag:s20] =	dma.local [hbm:s2], s18  }
0x9b: {  	_ =	swait.ge [sflag:s20], s18  }
0x9c: {  	s1 =	ssub.s32 $0x0, s18;
	[sflag:s20] =	ssyncset.done $0x0  }
0x9d: {  	[sflag:s20] =	ssyncadd.s32 s1;
	_ =	sdelay $0x1  }
0x9e: {  	s21 =	simm.s32 $0x1B8B  }
0x9f: {  	_ =	swait.ge [sflag:s21], $0x1  }
0xa0: {  	[sflag:s21] =	ssyncset.done $0x0  }
0xa1: {  	s23 =	simm.s32 $0x1B8E;
	s22 =	sld [smem:$0x3FFE];
	[sflag:s21] =	ssyncadd.s32 $0xFFFFFFFF  }
0xa2: {  	s24 =	simm.s32 $execute0_lowered;
	[smem:$0x3FD2] =	sst s23  }
0xa3: {  	s2 =	sshll.u32 s24, $0x1;
	_ =	strace $0x8000004C;
	[dreg:$0x1] =	wrdreg $0xFFFFFFFF  }
0xa4: {  	s25 =	simm.s32 $_size_execute0_lowered;
	s0 =	sadd.s32 s0, s2;
	[dreg:$0x0] =	wrdreg $0x0  }
0xa5: {  	s2 =	sshll.u32 s25, $0x1;
	[dreg:$0x2] =	wrdreg s0  }
0xa6: {  	[dreg:$0x3] =	wrdreg s2  }
0xa7: {  	[dreg:$0x4] =	wrdreg $0xC0  }
0xa8: {  	_ =	task [dreg:s4], $0x5FFFF  }
0xa9: {  	[dreg:$0x1] =	wrdreg $0xFFFFFFFF  }
0xaa: {  	[dreg:$0x0] =	wrdreg $0x60  }
0xab: {  	[dreg:$0x2] =	wrdreg s22  }
0xac: {  	[dreg:$0x3] =	wrdreg $0x9  }
0xad: {  	_ =	task.clear_ibuf [dreg:s4], $0x4FFFF;
	_ =	strace $0x9000004C  }
0xae: {  	s26 =	simm.s32 $0x9;
	_ =	strace $0x8000004E  }
0xaf: {  	_ =	swait.ge [sflag:s26], $0x1  }
0xb0: {  	[sflag:s26] =	ssyncadd.s32 $0xFFFFFFFF  }
0xb1: {  	_ =	strace $0x9000004E  }
0xb2: {  	_ =	sfence  }
0xb3: {  	s28 =	sld [smem:$0x0];
	_ =	sdelay $0x1  }
0xb4: {  	s29 =	srdreg.scid  }
0xb5: {  	s30 =	sshll.u32 s29, $0xD;
	s31 =	sshrl.u32 s29, $0x2  }
0xb6: {  	s1 =	sand.u32 $0x1, s29;
	s2 =	sand.u32 $0x4000, s30;
	s0 =	sadd.s32 s31, s28  }
0xb7: {  	s1 =	sor.u32 s2, s1;
	s0 =	sshll.u32 s0, $0x11  }
0xb8: {  	s0 =	sor.u32 s0, s1  }
0xb9: {  	s0 =	sadd.s32 $0x8F2B, s0  }
0xba: {  	[sflag:s0] =	ssyncadd.remote.s32 $0x1  }
0xbb: {  	_ =	sfence.sel $0xFFFF  }
0xbc: {  	[dreg:$0x0] =	wrdreg $0xFFFFFFFF;
	(pc) =	sbr.abs _section_cstart, $3  }
0xbd: {  	[dreg:$0x1] =	wrdreg $0xFFFFFFFF  }
0xbe: {  	_ =	task.clear_ibuf [dreg:s4], $0x2FFFF;
	_ =	strace $0x9FFFFFFF  }
0xbf: {  	(tm) =	ssettm $0x7FFFFFFF  }
tec
execute0_lowered:
.L_overlay_start_1:
0x0: {  	(tag) =	ssettag $0x1  }
0x1: {  	s0 =	rddreg [dreg:$0x0];
	_ =	strace $0x8000004D;
	s1 =	simm.s32 $0x1  }
0x2: {  	s8 =	simm.s32 $0x88;
	v0 =	vimm.s32 $0x0;
	[sflag:s1] =	ssyncpa.u1 $0x0  }
0x3: {  	[tilespmem:s8+$0x30] =	vst v0  }
0x4: {  	s1 =	sadd.s32 $0x35400, s0;
	s3 =	sadd.s32 $0x21000, s0;
	[tilespmem:s8+$0x20] =	vst v0  }
0x5: {  	s4 =	sadd.s32 $0xA5BC00, s0;
	s5 =	sadd.s32 $0x2B200, s0;
	s0 =	simm.s32 $0x40;
	[tilespmem:s8+$0x10] =	vst v0  }
.LBB2_1:
0x6: {  	s0 =	sadd.s32 $0x40, s0  }
0x7: {  	[tilespmem:s8+$0x0] =	vst v0;
	s8 =	sadd.s32 $0x40, s8;
	p0 =	slt.u32 s0, $0x5040  }
.Ltmp0:
0x8: {  	(pc) =	sbr.rel @p0 .LBB2_1-.Ltmp0, $4  }
0x9: {  	_ = 	snop  }
0xa: {  	[tilespmem:s8+$0x30] =	vst v0  }
0xb: {  	[tilespmem:s8+$0x20] =	vst v0  }
0xc: {  	[tilespmem:s8+$0x10] =	vst v0  }
0xd: {  	s9 =	stileid.u32  }
0xe: {  	s0 =	smin.u32 s9, $0x8;
	s2 =	sshll.u32 s9, $0x6  }
0xf: {  	s0 =	sor.u32 s0, s2  }
0x10: {  	p0 =	slt.u32 s9, $0x8;
	s6 =	smul.u32 $0x140, s0;
	s0 =	simm.s32 $0x5140  }
0x11: {  	s0 =	simm.s32 @!p0 $0x5000  }
0x12: {  	s0 =	sadd.s32 s0, s6  }
0x13: {  	s7 =	smin.u32 s0, $0x50910  }
0x14: {  	s0 =	ssub.s32 s7, s6  }
0x15: {  	p0 =	sgt.s32 s0, $0x0  }
0x16: {  	s0 =	simm.s32 @!p0 $0x0  }
0x17: {  	s29 =	simm.s32 $0x2;
	s10 =	simm.s32 $0x7;
	s28 =	smulhi.u32 $0x66666667, s0  }
0x18: {  	s31 =	simm.s32 $0x8;
	s11 =	simm.s32 $0x1;
	s15 =	simm.s32 $0x0  }
0x19: {  	p1 =	por $0x0, $0x0;
	s16 =	simm.s32 $0xA;
	s2 =	sshrl.u32 s28, $0x7  }
0x1a: {  	s20 =	simm.s32 $0x0;
	s17 =	simm.s32 $0x0;
	s30 =	smul.u32 $0x140, s2  }
.Ltmp1:
0x1b: {  	[tilespmem:s8+$0x0] =	vst v0;
	v0 =	vimm.s32 $0xFFFFFFFF;
	s19 =	simm.s32 $0x0;
	[sflag:s29] =	ssyncpa.u1 $0x0;
	(pc) =	sbr.rel .LBB2_3-.Ltmp1, $4  }
0x1c: {  	[tilespmem:$0xA108] =	vst v0;
	[sflag:s10] =	ssyncpa.u1 $0x0;
	p0 =	sne.s32 s0, s30;
	s0 =	simm.s32 $0x1  }
0x1d: {  	s10 =	simm.s32 $0x9;
	[sflag:s31] =	ssyncpa.u1 $0x0;
	s0 =	simm.s32 @!p0 $0x0  }
0x1e: {  	s13 =	sshll.u32 s9, $0x7;
	[sflag:s10] =	ssyncpa.u1 $0x0;
	s12 =	sadd.s32 s0, s2  }
0x1f: {  	v0 =	vlaneseq.u32;
	s18 =	smov.u32 s6;
	p0 =	por $0x1, $0x1;
	s14 =	sadd.s32 $0x1, s12  }
.LBB2_24:
0x20: {  	s0 =	sshrl.u32 s29, $0x2  }
.LBB2_26:
0x21: {  	_ =	swait.ge [sflag:s16], s0  }
0x22: {  	s31 =	ssub.s32 $0x0, s0;
	v1 =	vmov s22;
	vm0 =	veq.s32 v0, $0x0;
	[sflag:s16] =	ssyncset.done $0x0  }
0x23: {  	vm15 =	veq.s32 v0, $0x2;
	v1 =	vsel vm0, s28, v1;
	[sflag:s16] =	ssyncadd.s32 s31  }
0x24: {  	v1 =	vsel vm15, s20, v1;
	[sflag:s16] =	ssyncpa.u1 $0x1  }
0x25: {  	[tilespmem:$0xA108] =	vst v1  }
.LBB2_27:
0x26: {  	s0 =	sadd.s32 $0x140, s18  }
0x27: {  	s2 =	smov.u32 s6;
	p2 =	slt.s32 s0, s7  }
0x28: {  	s2 =	smov.u32 @p2 s0;
	p2 =	sne.s32 s19, s14  }
.Ltmp2:
0x29: {  	_ = 	snop;
	(pc) =	sbr.rel @!p2 .LBB2_28-.Ltmp2, $4  }
0x2a: {  	_ = 	snop  }
0x2b: {  	s20 =	smov.u32 s17  }
0x2c: {  	s31 =	sadd.s32 $0x1, s19;
	s17 =	smov.u32 s18;
	p0 =	por !p0, !p0  }
0x2d: {  	p1 =	por !p1, !p1;
	s19 =	smov.u32 s31;
	s18 =	smov.u32 s2  }
.LBB2_3:
0x2e: {  	p2 =	sge.u32 s19, s12  }
0x2f: {  	s0 =	smulhi.u32 @!p2 $0xAAAAAAAB, s19  }
0x30: {  	s2 =	smov.u32 s18;
	p3 =	sgt.s32 @!p2 s18, $0x507D0  }
0x31: {  	s8 =	sshra.s32 @!p2 s18, $0x1F;
	p3 =	por !p3, p2;
	s0 =	sshrl.u32 @!p2 s0, $0x1  }
0x32: {  	s8 =	sand.u32 @!p2 s8, s18;
	s2 =	simm.s32 @p3 $0x507D0;
	s0 =	smul.u32 @!p2 $0x3, s0  }
0x33: {  	s2 =	ssub.s32 @!p2 s2, s8  }
0x34: {  	s22 =	sadd.s32 $0xFFFFFFFF, s19;
	s2 =	sadd.s32 @!p2 $0xFFFAF830, s2;
	s0 =	ssub.s32 @!p2 s19, s0  }
0x35: {  	s8 =	sshll.u32 @!p2 s2, $0x2;
	p3 =	sgt.s32 @!p2 s2, $0x13F;
	s0 =	smul.u32 @!p2 $0x500, s0  }
0x36: {  	s21 =	sand.u32 @!p2 $0x7, s18;
	s2 =	ssub.s32 @!p2 $0x500, s8;
	p3 =	por !p3, p2  }
0x37: {  	s8 =	sshrl.u32 @!p2 s18, $0x3;
	s2 =	sshrl.u32 @!p2 s2, $0x2;
	s0 =	sshrl.u32 @!p2 s0, $0x2  }
0x38: {  	s8 =	sadd.s32 @!p2 s5, s8;
	s2 =	simm.s32 @!p3 $0x0;
	s0 =	sadd.s32 @!p2 $0xA938, s0  }
0x39: {  	[tilespmem:s0], [sflag:$0x8] =	stream.linear.gather @!p2 [hbm4b:s8+s21], s2, $0x38;
	[tilespmem:$0x1EF78] =	vst v63  }
0x3a: {  	p2 =	sge.u32 s22, s12  }
0x3b: {  	p3 =	sgt.s32 @!p2 s17, $0x507D0  }
0x3c: {  	s0 =	smov.u32 s17;
	s2 =	sshra.s32 @!p2 s17, $0x1F;
	p3 =	por !p3, p2  }
0x3d: {  	s2 =	sand.u32 @!p2 s2, s17;
	s0 =	simm.s32 @p3 $0x507D0  }
0x3e: {  	s0 =	ssub.s32 @!p2 s0, s2  }
0x3f: {  	s0 =	sadd.s32 @!p2 $0xFFFAF830, s0  }
0x40: {  	s2 =	sshll.u32 @!p2 s0, $0x2  }
0x41: {  	p3 =	sgt.s32 @!p2 s0, $0x13F;
	s0 =	ssub.s32 @!p2 $0x500, s2  }
0x42: {  	p3 =	por !p3, p2;
	s0 =	sshrl.u32 @!p2 s0, $0x2  }
0x43: {  	s8 =	simm.s32 @!p2 $0x8;
	s2 =	sand.u32 @!p2 $0x1, s22;
	s0 =	simm.s32 @!p3 $0x0  }
0x44: {  	s2 =	smul.u32 @!p2 $0x500, s2;
	_ =	swait.ge @!p2 [sflag:s8], s0  }
0x45: {  	s21 =	ssub.s32 @!p2 $0x0, s0;
	[sflag:s8] =	ssyncset.done @!p2 $0x0  }
0x46: {  	s2 =	sshrl.u32 @!p2 s2, $0x2;
	[sflag:s8] =	ssyncadd.s32 @!p2 s21;
	s8 =	sshrl.u32 @!p2 s17, $0x3  }
0x47: {  	s2 =	sadd.s32 @!p2 $0xACF8, s2;
	s21 =	sand.u32 @!p2 $0x7, s17;
	s8 =	sadd.s32 @!p2 s3, s8  }
0x48: {  	[tilespmem:s2], [sflag:$0x9] =	stream.linear.gather @!p2 [hbm4b:s8+s21], s0, $0x38;
	[tilespmem:$0x1EF78] =	vst v63  }
0x49: {  	s21 =	ssub.s32 @!p2 $0x50910, s17  }
0x4a: {  	p3 =	slt.s32 @!p2 s21, $0x1  }
0x4b: {  	p3 =	por p2, p3  }
.Ltmp3:
0x4c: {  	_ = 	snop;
	(pc) =	sbr.rel @p3 .LBB2_9-.Ltmp3, $1  }
0x4d: {  	_ =	sdelay $0x3  }
0x4e: {  	s0 =	smulhi.u32 $0xAAAAAAAB, s22;
	_ =	sdelay $0x1  }
0x4f: {  	s0 =	sshrl.u32 s0, $0x1  }
0x50: {  	s0 =	smul.u32 $0x3, s0;
	_ =	sdelay $0x1  }
0x51: {  	s0 =	ssub.s32 s22, s0  }
0x52: {  	s2 =	simm.s32 $0x1;
	s0 =	smul.u32 $0x500, s0  }
.Ltmp4:
0x53: {  	s2 =	simm.s32 @!p0 $0x0;
	(pc) =	sbr.rel .LBB2_6-.Ltmp4, $4  }
0x54: {  	s2 =	smul.u32 $0x28000, s2  }
0x55: {  	p3 =	slt.s32 @!p2 s21, $0x140;
	s0 =	sshrl.u32 s0, $0x2  }
0x56: {  	p2 =	por !p3, p2;
	s2 =	sshrl.u32 s2, $0x2;
	s0 =	sadd.s32 $0xA938, s0  }
0x57: {  	s23 =	simm.s32 $0x0;
	s21 =	simm.s32 @p2 $0x140;
	s22 =	sadd.s32 $0xAF78, s2;
	v1 =	vmov s0  }
.LBB2_5:
0x58: {  	p2 =	sge.s32 s23, s21  }
.Ltmp5:
0x59: {  	_ = 	snop;
	(pc) =	sbr.rel @p2 .LBB2_9-.Ltmp5, $2  }
0x5a: {  	_ =	sdelay $0x2  }
0x5b: {  	s22 =	sadd.s32 $0x800, s22  }
.LBB2_6:
0x5c: {  	p2 =	sle.s32 s21, s23  }
.Ltmp6:
0x5d: {  	_ = 	snop;
	(pc) =	sbr.rel @p2 .LBB2_5-.Ltmp6, $2  }
0x5e: {  	_ =	sdelay $0x2  }
0x5f: {  	s24 =	smov.u32 s23;
	s23 =	sadd.s32 $0x10, s23  }
0x60: {  	s0 =	ssub.s32 s21, s24  }
0x61: {  	p2 =	slt.s32 s0, $0x10  }
0x62: {  	s0 =	simm.s32 @!p2 $0x10  }
0x63: {  	v2 =	vmov s0  }
0x64: {  	vm0 =	vgt.s32 v2, v0;
	_ =	sdelay $0x5  }
0x65: {  	v2 =	vld.idx.msk [tilespmem:v1+s24+$0x0 ss:$0x1], vm0;
	_ =	sdelay $0x2  }
0x66: {  	p2 =	slt.s32 s23, s21;
	s0 =	smov.u32 s21  }
0x67: {  	s2 =	smov.u32 s22;
	s25 =	simm.s32 $0x0;
	s0 =	smov.u32 @p2 s23  }
.LBB2_8:
0x68: {  	(v2sf) =	vpush v2, s25;
	_ =	sdelay $0xc  }
0x69: {  	s25 =	sadd.s32 $0x1, s25  }
0x6a: {  	s31 =	sadd.s32 s25, s24  }
0x6b: {  	p2 =	slt.s32 s31, s0;
	s8 =	spop (v2sf)  }
.Ltmp7:
0x6c: {  	s8 =	sshll.u32 s8, $0x4;
	(pc) =	sbr.rel @p2 .LBB2_8-.Ltmp7, $4  }
0x6d: {  	s8 =	sand.u32 $0x1FFFFFF0, s8  }
0x6e: {  	s8 =	sadd.s32 s4, s8  }
0x6f: {  	[tilespmem:s2], [sflag:$0x7] =	stream.linear.gather [hbm4b:s8+s15], $0x40, $0x38;
	[tilespmem:$0x1EF78] =	vst v63  }
0x70: {  	s2 =	sadd.s32 $0x80, s2  }
.Ltmp8:
0x71: {  	_ = 	snop;
	(pc) =	sbr.rel .LBB2_5-.Ltmp8, $1  }
0x72: {  	_ =	sdelay $0x3  }
.LBB2_9:
0x73: {  	p2 =	slt.u32 s19, $0x2  }
.Ltmp9:
0x74: {  	_ = 	snop;
	(pc) =	sbr.rel @p2 .LBB2_27-.Ltmp9, $1  }
0x75: {  	_ =	sdelay $0x3  }
0x76: {  	p2 =	sgt.s32 s20, $0x507D0;
	s0 =	smov.u32 s20  }
0x77: {  	s2 =	sshra.s32 s20, $0x1F;
	s8 =	ssub.s32 $0x50910, s20;
	s0 =	simm.s32 @!p2 $0x507D0  }
0x78: {  	s2 =	sand.u32 s2, s20;
	p2 =	slt.s32 s8, $0x140;
	s21 =	smov.u32 s8  }
0x79: {  	s0 =	ssub.s32 s0, s2;
	s21 =	simm.s32 @!p2 $0x140  }
0x7a: {  	s0 =	sadd.s32 $0xFFFAF830, s0;
	s26 =	sshll.u32 s21, $0x6  }
0x7b: {  	s9 =	simm.s32 $0x7;
	s29 =	sshll.u32 s0, $0x2;
	s2 =	sand.u32 $0x3FFFFFC0, s26  }
0x7c: {  	p2 =	sgt.s32 s0, $0x13F;
	s30 =	ssub.s32 $0x500, s29;
	_ =	swait.ge [sflag:s9], s2  }
0x7d: {  	s2 =	ssub.s32 $0x0, s2;
	[sflag:s9] =	ssyncset.done $0x0;
	s0 =	sshrl.u32 s30, $0x2  }
0x7e: {  	[sflag:s9] =	ssyncadd.s32 s2;
	s0 =	simm.s32 @p2 $0x0  }
0x7f: {  	_ =	swait.ge [sflag:s10], s0  }
0x80: {  	s0 =	ssub.s32 $0x0, s0;
	[sflag:s10] =	ssyncset.done $0x0  }
0x81: {  	[sflag:s10] =	ssyncadd.s32 s0  }
0x82: {  	v1 =	vld [tilespmem:$0xA108];
	_ =	sdelay $0x4  }
0x83: {  	(v2sf) =	vpush v1, $0x0  }
0x84: {  	(v2sf) =	vpush v1, $0x1  }
0x85: {  	(v2sf) =	vpush v1, $0x2;
	_ =	sdelay $0x3  }
0x86: {  	s0 =	sadd.s32 $0x140, s20  }
0x87: {  	p2 =	slt.s32 s7, s0  }
0x88: {  	s0 =	smov.u32 @p2 s7;
	p2 =	sgt.s32 s8, $0x0  }
0x89: {  	s24 =	ssub.s32 s0, s20;
	s8 =	simm.s32 @!p2 $0x0  }
0x8a: {  	p2 =	slt.s32 s8, s24  }
0x8b: {  	s24 =	smov.u32 @p2 s8  }
0x8c: {  	s23 =	simm.s32 $0x1;
	p2 =	slt.s32 s24, $0x1  }
.Ltmp10:
0x8d: {  	s23 =	simm.s32 @!p1 $0x0;
	(pc) =	sbr.rel @p2 .LBB2_14-.Ltmp10, $4  }
0x8e: {  	s31 =	smul.u32 $0x500, s23  }
0x8f: {  	s25 =	spop (v2sf)  }
0x90: {  	s0 =	sshrl.u32 s31, $0x2;
	s28 =	spop (v2sf)  }
0x91: {  	s21 =	sadd.s32 $0xACF8, s0;
	s20 =	spop (v2sf)  }
0x92: {  	s0 =	smin.u32 s24, $0x10  }
0x93: {  	v1 =	vmov s0  }
0x94: {  	p3 =	sgt.s32 s24, $0x10;
	vm1 =	vgt.u32 v1, v0  }
.Ltmp11:
0x95: {  	_ = 	snop;
	(pc) =	sbr.rel @!p3 .LBB2_13-.Ltmp11, $2  }
0x96: {  	_ =	sdelay $0x2  }
0x97: {  	s26 =	simm.s32 $0x10;
	s29 =	sadd.s32 $0xFFFFFFF0, s24;
	s22 =	smov.u32 s21;
	vm0 =	vmmov vm1  }
.LBB2_12:
0x98: {  	s0 =	smin.u32 s29, $0x10;
	s26 =	sadd.s32 $0x10, s26;
	v1 =	vld.msk [tilespmem:s22+$0x0 ss:$0x1], vm1  }
0x99: {  	v2 =	vmov s0;
	p3 =	slt.s32 s26, s24  }
0x9a: {  	vm1 =	vgt.u32 v2, v0  }
.Ltmp12:
0x9b: {  	(pc) =	sbr.rel @p3 .LBB2_12-.Ltmp12, $3  }
0x9c: {  	_ =	sdelay $0x1  }
0x9d: {  	v1 =	vshll.u32 v1, $0x4  }
0x9e: {  	s29 =	sadd.s32 $0xFFFFFFF0, s29;
	[tilespmem:s22+$0x0] =	vst.msk vm0, v1;
	s22 =	sadd.s32 $0x10, s22;
	vm0 =	vmmov vm1  }
.LBB2_13:
0x9f: {  	_ =	sdelay $0x4  }
0xa0: {  	v1 =	vld.msk [tilespmem:s22+$0x0 ss:$0x1], vm1;
	_ =	sdelay $0x4  }
0xa1: {  	v1 =	vshll.u32 v1, $0x4  }
0xa2: {  	[tilespmem:s22+$0x0] =	vst.msk vm0, v1  }
.LBB2_14:
0xa3: {  	s0 =	sand.u32 $0x1, s19  }
0xa4: {  	s0 =	smul.u32 $0x140, s0  }
0xa5: {  	p3 =	sne.s32 s28, $0xFFFFFFFF  }
0xa6: {  	v1 =	vld.msk @!p3 [tilespmem:s0+$0xACF8], $0x1;
	_ =	sdelay $0x4  }
0xa7: {  	(v2sf) =	vpush @!p3 v1, $0x0;
	_ =	sdelay $0xc  }
.Ltmp13:
0xa8: {  	_ = 	snop;
	(pc) =	sbr.rel @p2 .LBB2_25-.Ltmp13, $4  }
0xa9: {  	_ = 	snop  }
0xaa: {  	s26 =	spop @!p3 (v2sf)  }
0xab: {  	s20 =	simm.s32 @!p3 $0x0;
	s22 =	smov.u32 s26  }
0xac: {  	[sflag:s16] =	ssyncpa.u1 $0x0;
	s26 =	smov.u32 @p3 s25;
	s22 =	smov.u32 @p3 s28  }
0xad: {  	v1 =	vld.msk [tilespmem:s21+$0x0], $0x1;
	_ =	sdelay $0x4  }
0xae: {  	(v2sf) =	vpush v1, $0x0;
	_ =	sdelay $0xe  }
0xaf: {  	s0 =	smul.u32 $0x28000, s23;
	s30 =	spop (v2sf)  }
0xb0: {  	s24 =	ssub.s32 $0x0, s24;
	p2 =	seq.s32 s26, s30  }
0xb1: {  	s28 =	sadd.s32 $0x1, s24;
	s0 =	sshrl.u32 s0, $0x2;
	p3 =	sgt.s32 @!p2 s26, $0x0  }
0xb2: {  	s23 =	sadd.s32 $0xAF98, s0;
	s0 =	smov.u32 s26;
	p3 =	por !p3, p2  }
0xb3: {  	s0 =	simm.s32 @p3 $0x0;
	p3 =	seq.s32 s28, $0x0  }
.Ltmp14:
0xb4: {  	_ = 	snop;
	(pc) =	sbr.rel @p3 .LBB2_17-.Ltmp14, $4  }
0xb5: {  	_ = 	snop  }
0xb6: {  	s25 =	simm.s32 $0x0;
	s31 =	simm.s32 @!p2 $0x1;
	s2 =	smin.u32 @!p2 s0, $0x270F8  }
0xb7: {  	s29 =	sadd.s32 $0x1, s21;
	s31 =	smov.u32 @p2 s25;
	s8 =	sand.u32 @!p2 $0x3FFF8, s2  }
0xb8: {  	s0 =	simm.s32 @!p2 $0x50C8;
	s2 =	sand.u32 @!p2 $0x7, s2;
	s8 =	sadd.s32 @!p2 s1, s8  }
.LBB2_16:
0xb9: {  	s9 =	smov.u32 s31  }
0xba: {  	[tilespmem:s0], [sflag:$0x2] =	stream.linear.gather @!p2 [hbm4b:s8+s2], $0x40, $0x38;
	[tilespmem:$0x1EF78] =	vst v63  }
0xbb: {  	s28 =	sadd.s32 $0x1, s28;
	s2 =	smov.u32 s30;
	v1 =	vld.msk [tilespmem:s29+$0x0], $0x1  }
0xbc: {  	p3 =	seq.s32 s28, $0x0;
	_ =	sdelay $0x3  }
0xbd: {  	(v2sf) =	vpush v1, $0x0;
	_ =	sdelay $0xe  }
0xbe: {  	s30 =	spop (v2sf)  }
0xbf: {  	p2 =	seq.s32 s2, s30  }
0xc0: {  	p4 =	sgt.s32 @!p2 s2, $0x0;
	s0 =	sshll.u32 @!p2 s31, $0x8;
	s31 =	sadd.s32 @!p2 $0x1, s31  }
.Ltmp15:
0xc1: {  	p4 =	por !p4, p2;
	s0 =	sshra.s32 @!p2 s0, $0x2;
	(pc) =	sbr.rel @!p3 .LBB2_16-.Ltmp15, $4  }
0xc2: {  	s31 =	smov.u32 @p2 s9;
	s2 =	simm.s32 @p4 $0x0;
	s0 =	sadd.s32 @!p2 $0x50C8, s0  }
0xc3: {  	s2 =	smin.u32 @!p2 s2, $0x270F8  }
0xc4: {  	s8 =	sand.u32 @!p2 $0x3FFF8, s2;
	s2 =	sand.u32 @!p2 $0x7, s2  }
0xc5: {  	s29 =	sadd.s32 $0x1, s29;
	s8 =	sadd.s32 @!p2 s1, s8  }
.LBB2_17:
0xc6: {  	[tilespmem:s0], [sflag:$0x2] =	stream.linear.gather @!p2 [hbm4b:s8+s2], $0x40, $0x38;
	[tilespmem:$0x1EF78] =	vst v63  }
.Ltmp16:
0xc7: {  	s30 =	sshll.u32 s31, $0x6;
	(pc) =	sbr.rel .LBB2_18-.Ltmp16, $4  }
0xc8: {  	s31 =	simm.s32 $0x2;
	s0 =	sand.u32 $0x3FFFFFC0, s30  }
0xc9: {  	_ =	swait.ge [sflag:s31], s0  }
0xca: {  	s0 =	ssub.s32 $0x0, s0;
	[sflag:s31] =	ssyncset.done $0x0  }
0xcb: {  	s29 =	simm.s32 $0x0;
	[sflag:s31] =	ssyncadd.s32 s0  }
.LBB2_19:
0xcc: {  	v1 =	vld [tilespmem:s23+$0xFFFFFFE0];
	_ =	sdelay $0x4  }
0xcd: {  	[tilespmem:s30+$0x88] =	vst.add.f32.msk $0xffff, v1  }
0xce: {  	v1 =	vld [tilespmem:s23+$0xFFFFFFF0];
	_ =	sdelay $0x4  }
0xcf: {  	[tilespmem:s30+$0x98] =	vst.add.f32.msk $0xffff, v1  }
0xd0: {  	v1 =	vld [tilespmem:s23+$0x0];
	_ =	sdelay $0x4  }
0xd1: {  	[tilespmem:s30+$0xA8] =	vst.add.f32.msk $0xffff, v1  }
0xd2: {  	v1 =	vld [tilespmem:s23+$0x10];
	_ =	sdelay $0x4  }
0xd3: {  	[tilespmem:s30+$0xB8] =	vst.add.f32.msk $0xffff, v1  }
.LBB2_23:
0xd4: {  	s24 =	sadd.s32 $0x1, s24  }
0xd5: {  	p2 =	seq.s32 s24, $0x0  }
.Ltmp17:
0xd6: {  	_ = 	snop;
	(pc) =	sbr.rel @p2 .LBB2_24-.Ltmp17, $2  }
0xd7: {  	_ =	sdelay $0x2  }
0xd8: {  	s23 =	sadd.s32 $0x80, s23;
	s21 =	sadd.s32 $0x1, s21;
	s26 =	smov.u32 s28  }
.LBB2_18:
0xd9: {  	v1 =	vld.msk [tilespmem:s21+$0x0], $0x1;
	_ =	sdelay $0x4  }
0xda: {  	(v2sf) =	vpush v1, $0x0;
	_ =	sdelay $0xe  }
0xdb: {  	s28 =	spop (v2sf)  }
0xdc: {  	p2 =	sne.s32 s26, s28  }
.Ltmp18:
0xdd: {  	_ = 	snop;
	(pc) =	sbr.rel @!p2 .LBB2_19-.Ltmp18, $3  }
0xde: {  	_ =	sdelay $0x1  }
0xdf: {  	s0 =	sshll.u32 s20, $0x8  }
0xe0: {  	s30 =	sshra.s32 s0, $0x2  }
0xe1: {  	p2 =	seq.s32 s26, s22  }
.Ltmp19:
0xe2: {  	_ = 	snop;
	(pc) =	sbr.rel @!p2 .LBB2_21-.Ltmp19, $1  }
0xe3: {  	_ =	sdelay $0x3  }
.Ltmp20:
0xe4: {  	s0 =	sadd.s32 $0x88, s30;
	(pc) =	sbr.rel .LBB2_22-.Ltmp20, $4  }
0xe5: {  	[spmem:s13] =	stream.linear.scatter [tilespmem:s0], [sflag:$0x1], $0x40, $0x38;
	[tilespmem:$0x1EF78] =	vst v63  }
0xe6: {  	_ =	swait.ge [sflag:s11], $0x40  }
0xe7: {  	[sflag:s11] =	ssyncset.done $0x0  }
0xe8: {  	[sflag:s11] =	ssyncadd.s32 $0xFFFFFFC0  }
.LBB2_21:
0xe9: {  	s0 =	sshll.u32 s25, $0x8  }
0xea: {  	s0 =	sshra.s32 s0, $0x2  }
0xeb: {  	v1 =	vld [tilespmem:s0+$0x50C8];
	_ =	sdelay $0x4  }
0xec: {  	[tilespmem:s30+$0x88] =	vst.add.f32.msk $0xffff, v1  }
0xed: {  	v1 =	vld [tilespmem:s0+$0x50D8];
	_ =	sdelay $0x4  }
0xee: {  	[tilespmem:s30+$0x98] =	vst.add.f32.msk $0xffff, v1  }
0xef: {  	v1 =	vld [tilespmem:s0+$0x50E8];
	_ =	sdelay $0x4  }
0xf0: {  	[tilespmem:s30+$0xA8] =	vst.add.f32.msk $0xffff, v1  }
0xf1: {  	v1 =	vld [tilespmem:s0+$0x50F8];
	_ =	sdelay $0x2  }
0xf2: {  	p2 =	sgt.u32 s26, $0x270F8  }
0xf3: {  	s0 =	sand.u32 @!p2 $0x3FFF8, s26  }
0xf4: {  	s2 =	sadd.s32 $0x88, s30;
	s8 =	sand.u32 @!p2 $0x7, s26;
	s0 =	sadd.s32 @!p2 s1, s0;
	[tilespmem:s30+$0xB8] =	vst.add.f32.msk $0xffff, v1  }
0xf5: {  	[hbm4b:s0+s8] =	stream.linear.scatter @!p2 [tilespmem:s2], [sflag:$0xA], $0x40, $0x38;
	[tilespmem:$0x1EF78] =	vst v63  }
0xf6: {  	s0 =	simm.s32 $0x0  }
0xf7: {  	s0 =	simm.s32 @!p2 $0x100  }
0xf8: {  	s29 =	sadd.s32 s0, s29  }
.LBB2_22:
0xf9: {  	s0 =	sadd.s32 $0x1, s20  }
0xfa: {  	s2 =	smulhi.u32 $0xCCCCCCCD, s0;
	_ =	sdelay $0x1  }
0xfb: {  	v1 =	vld [tilespmem:s23+$0xFFFFFFE0];
	s2 =	sshrl.u32 s2, $0x8  }
0xfc: {  	s2 =	smul.u32 $0x140, s2;
	_ =	sdelay $0x1  }
0xfd: {  	s20 =	ssub.s32 s0, s2  }
0xfe: {  	s0 =	sshll.u32 s20, $0x6  }
0xff: {  	[tilespmem:s0+$0x88] =	vst v1  }
0x100: {  	v1 =	vld [tilespmem:s23+$0xFFFFFFF0];
	_ =	sdelay $0x4  }
0x101: {  	[tilespmem:s0+$0x98] =	vst v1  }
0x102: {  	v1 =	vld [tilespmem:s23+$0x0];
	_ =	sdelay $0x4  }
0x103: {  	[tilespmem:s0+$0xA8] =	vst v1  }
0x104: {  	v1 =	vld [tilespmem:s23+$0x10]  }
.Ltmp21:
0x105: {  	_ = 	snop;
	(pc) =	sbr.rel .LBB2_23-.Ltmp21, $2  }
0x106: {  	_ =	sdelay $0x2  }
0x107: {  	s25 =	sadd.s32 $0x1, s25;
	[tilespmem:s0+$0xB8] =	vst v1  }
.LBB2_25:
.Ltmp22:
0x108: {  	(pc) =	sbr.rel .LBB2_26-.Ltmp22, $4  }
0x109: {  	_ = 	snop  }
0x10a: {  	s0 =	simm.s32 $0x2  }
0x10b: {  	_ =	swait.ge [sflag:s0], $0x0  }
0x10c: {  	s28 =	smov.u32 s26;
	[sflag:s0] =	ssyncset.done $0x0;
	s0 =	simm.s32 $0x0  }
.LBB2_28:
0x10d: {  	_ =	sfence.sel $0x180000  }
0x10e: {  	s0 =	simm.s32 $0x7;
	[bflag:$0x0] =	sbarrier.arrive $0xFFFF  }
0x10f: {  	s25 =	simm.s32 $0x8;
	[sflag:s0] =	ssyncpa.u1 $0x1  }
0x110: {  	s26 =	simm.s32 $0x9;
	[sflag:s25] =	ssyncpa.u1 $0x1  }
0x111: {  	s28 =	simm.s32 $0x2;
	[sflag:s26] =	ssyncpa.u1 $0x1  }
0x112: {  	[sflag:s28] =	ssyncpa.u1 $0x1  }
0x113: {  	v0 =	vld [tilespmem:$0xA108];
	_ =	sdelay $0x4  }
0x114: {  	(v2sf) =	vpush v0, $0x0  }
0x115: {  	(v2sf) =	vpush v0, $0x1;
	_ =	sdelay $0x1  }
0x116: {  	(v2sf) =	vpush v0, $0x2;
	_ =	sdelay $0xb  }
0x117: {  	s0 =	spop (v2sf)  }
0x118: {  	s2 =	spop (v2sf)  }
0x119: {  	s3 =	smov.u32 s0;
	p0 =	sne.s32 s0, s2  }
0x11a: {  	s4 =	spop (v2sf);
	s3 =	simm.s32 @!p0 $0xFFFFFFFF  }
0x11b: {  	v2 =	vimm.s32 $0x1;
	v3 =	vlaneseq.u32;
	p0 =	seq.s32 s4, $0xFFFFFFFF;
	v1 =	vmov s3  }
0x11c: {  	s7 =	stileid.u32;
	v0 =	vperm.xlane v0, v2;
	p1 =	sne.s32 @!p0 s0, s2;
	v1 =	vperm.xlane v1, v3  }
0x11d: {  	vm0 =	vcmask $0x3F04;
	s6 =	simm.s32 $0xA108;
	s0 =	simm.s32 @!p0 $0x1;
	p1 =	por !p1, p0  }
0x11e: {  	s3 =	sshll.u32 s7, $0x1;
	s2 =	sshll.u32 @!p0 s4, $0x8;
	s0 =	simm.s32 @p1 $0x0;
	v0 =	vsel vm0, v1, v0  }
0x11f: {  	s5 =	sor.u32 $0x800, s3;
	s2 =	sshra.s32 @!p0 s2, $0x2;
	s0 =	sor.u32 @!p0 s0, s3;
	[tilespmem:$0xA108] =	vst v0  }
0x120: {  	[spmem:s5] =	stream.linear.scatter [tilespmem:s6], [sflag:$0x1], $0x2, $0x38;
	[tilespmem:$0x1EF78] =	vst v63  }
0x121: {  	s2 =	sadd.s32 @!p0 $0x88, s2;
	s0 =	sshll.u32 @!p0 s0, $0x6  }
0x122: {  	[spmem:s0] =	stream.linear.scatter @!p0 [tilespmem:s2], [sflag:$0x1], $0x40, $0x38;
	[tilespmem:$0x1EF78] =	vst v63  }
0x123: {  	s2 =	simm.s32 @!p0 $0x42  }
0x124: {  	s0 =	simm.s32 $0x1;
	s2 =	simm.s32 @p0 $0x2  }
0x125: {  	_ =	swait.ge [sflag:s0], s2  }
0x126: {  	s2 =	ssub.s32 $0x0, s2;
	[sflag:s0] =	ssyncset.done $0x0  }
0x127: {  	[sflag:s0] =	ssyncadd.s32 s2  }
0x128: {  	_ =	sfence.stream.spmem  }
0x129: {  	s29 =	simm.s32 $0x3;
	[bflag:$0x0] =	sbarrier.arrive $0xFFFF  }
0x12a: {  	s30 =	simm.s32 $0x4;
	[sflag:s29] =	ssyncpa.u1 $0x1  }
0x12b: {  	s31 =	simm.s32 $0x3C;
	[sflag:s30] =	ssyncpa.u1 $0x1  }
0x12c: {  	p0 =	sne.s32 s7, $0x0;
	[sflag:s31] =	ssyncpa.u1 $0x1  }
0x12d: {  	_ =	sfence @p0  }
0x12e: {  	[sflag:s0] =	ssyncpa.u1 @p0 $0x1  }
0x12f: {  	_ =	strace @p0 $0x9000004D  }
0x130: {  	[bflag:$0x2] =	sbarrier.arrive @p0 $0xFFFF  }
0x131: {  	_ =	shalt @p0  }
.LBB2_29:
0x132: {  	_ =	sfence.stream.spmem;
	s0 =	simm.s32 $0x5  }
0x133: {  	s2 =	simm.s32 $0x800;
	s3 =	simm.s32 $0xA118;
	[sflag:s0] =	ssyncpa.u1 $0x0  }
0x134: {  	[tilespmem:s3], [sflag:$0x5] =	stream.linear.gather [spmem:s2], $0x20, $0x38;
	[tilespmem:$0x1EF78] =	vst v63  }
0x135: {  	s30 =	simm.s32 $0xA138;
	s2 =	simm.s32 $0x0  }
0x136: {  	[tilespmem:s30], [sflag:$0x5] =	stream.linear.gather [spmem:s2], $0x800, $0x38;
	[tilespmem:$0x1EF78] =	vst v63  }
.Ltmp23:
0x137: {  	_ = 	snop;
	(pc) =	sbr.rel .LBB2_30-.Ltmp23, $4  }
0x138: {  	_ =	swait.ge [sflag:s0], $0x820  }
0x139: {  	[sflag:s0] =	ssyncset.done $0x0  }
0x13a: {  	s31 =	simm.s32 $0x6;
	[sflag:s0] =	ssyncadd.s32 $0xFFFFF7E0  }
0x13b: {  	s3 =	simm.s32 $0x0;
	[sflag:s31] =	ssyncpa.u1 $0x0  }
.LBB2_36:
0x13c: {  	p0 =	slt.u32 s4, $0x270F9  }
0x13d: {  	s0 =	sand.u32 @p0 $0x3FFF8, s4  }
0x13e: {  	s4 =	sand.u32 @p0 $0x7, s4;
	s5 =	simm.s32 @p0 $0xA0C8;
	s0 =	sadd.s32 @p0 s1, s0  }
0x13f: {  	[tilespmem:s5], [sflag:$0x6] =	stream.linear.gather @p0 [hbm4b:s0+s4], $0x40, $0x38;
	[tilespmem:$0x1EF78] =	vst v63  }
0x140: {  	s0 =	simm.s32 @p0 $0x6  }
0x141: {  	_ =	swait.ge @p0 [sflag:s0], $0x40  }
0x142: {  	[sflag:s0] =	ssyncset.done @p0 $0x0  }
0x143: {  	[sflag:s0] =	ssyncadd.s32 @p0 $0xFFFFFFC0  }
0x144: {  	v1 =	vld @p0 [tilespmem:$0xA0C8];
	_ =	sdelay $0x2  }
0x145: {  	s0 =	sshll.u32 @p0 s3, $0x8  }
0x146: {  	s4 =	sshrl.u32 @p0 s0, $0x2  }
0x147: {  	[tilespmem:s4+$0xA138] =	vst.add.f32.msk @p0 $0xffff, v1  }
0x148: {  	v1 =	vld @p0 [tilespmem:$0xA0D8];
	_ =	sdelay $0x4  }
0x149: {  	[tilespmem:s4+$0xA148] =	vst.add.f32.msk @p0 $0xffff, v1  }
0x14a: {  	v1 =	vld @p0 [tilespmem:$0xA0E8];
	_ =	sdelay $0x4  }
0x14b: {  	[tilespmem:s4+$0xA158] =	vst.add.f32.msk @p0 $0xffff, v1  }
0x14c: {  	v1 =	vld @p0 [tilespmem:$0xA0F8];
	_ =	sdelay $0x3  }
0x14d: {  	s5 =	sshll.u32 @!p0 s3, $0x8  }
0x14e: {  	s5 =	smov.u32 @p0 s0;
	[tilespmem:s4+$0xA168] =	vst.add.f32.msk @p0 $0xffff, v1  }
0x14f: {  	s0 =	sshrl.u32 s5, $0x2;
	[tilespmem:s2+$0xA118] =	vst.msk $0x1, v0  }
0x150: {  	v0 =	vld [tilespmem:s0+$0xA138];
	_ =	sdelay $0x2  }
0x151: {  	s31 =	sshll.u32 s2, $0x8  }
0x152: {  	s4 =	sshra.s32 s31, $0x2  }
0x153: {  	[tilespmem:s4+$0xA138] =	vst v0  }
0x154: {  	v0 =	vld [tilespmem:s0+$0xA148];
	_ =	sdelay $0x4  }
0x155: {  	[tilespmem:s4+$0xA148] =	vst v0  }
0x156: {  	v0 =	vld [tilespmem:s0+$0xA158];
	_ =	sdelay $0x4  }
0x157: {  	[tilespmem:s4+$0xA158] =	vst v0  }
0x158: {  	v0 =	vld [tilespmem:s0+$0xA168];
	_ =	sdelay $0x4  }
0x159: {  	s2 =	sadd.s32 $0x1, s2;
	[tilespmem:s4+$0xA168] =	vst v0  }
.LBB2_37:
0x15a: {  	s3 =	sadd.s32 $0x1, s3  }
0x15b: {  	p0 =	sne.s32 s3, $0x20  }
.Ltmp24:
0x15c: {  	_ = 	snop;
	(pc) =	sbr.rel @!p0 .LBB2_38-.Ltmp24, $1  }
0x15d: {  	_ =	sdelay $0x3  }
.LBB2_30:
0x15e: {  	v0 =	vld.msk [tilespmem:s3+$0xA118], $0x1;
	_ =	sdelay $0x4  }
0x15f: {  	(v2sf) =	vpush v0, $0x0;
	_ =	sdelay $0xe  }
0x160: {  	s4 =	spop (v2sf)  }
0x161: {  	p0 =	seq.s32 s4, $0xFFFFFFFF  }
.Ltmp25:
0x162: {  	_ = 	snop;
	(pc) =	sbr.rel @p0 .LBB2_37-.Ltmp25, $1  }
0x163: {  	_ =	sdelay $0x3  }
0x164: {  	p0 =	slt.s32 s2, $0x1  }
.Ltmp26:
0x165: {  	_ = 	snop;
	(pc) =	sbr.rel @p0 .LBB2_36-.Ltmp26, $1  }
0x166: {  	_ =	sdelay $0x3  }
0x167: {  	s5 =	simm.s32 $0xA118;
	p0 =	por $0x0, $0x0  }
0x168: {  	v1 =	vld.msk @!p0 [tilespmem:s5+$0x0], $0x1;
	_ =	sdelay $0x4  }
0x169: {  	(v2sf) =	vpush @!p0 v1, $0x0;
	_ =	sdelay $0xd  }
0x16a: {  	p2 =	sne.s32 s2, $0x1  }
.Ltmp27:
0x16b: {  	s0 =	spop @!p0 (v2sf);
	(pc) =	sbr.rel @!p2 .LBB2_34-.Ltmp27, $4  }
0x16c: {  	p1 =	seq.s32 @!p0 s4, s0  }
0x16d: {  	s6 =	simm.s32 $0x0;
	p1 =	por !p1, p0  }
0x16e: {  	s0 =	simm.s32 $0xFFFFFFFF;
	s6 =	simm.s32 @p1 $0xFFFFFFFF  }
0x16f: {  	s7 =	simm.s32 $0x1;
	s6 =	smov.u32 @p0 s0  }
.LBB2_33:
0x170: {  	s0 =	smov.u32 s6;
	p0 =	sne.s32 s6, $0xFFFFFFFF  }
0x171: {  	s5 =	sadd.s32 $0x1, s5;
	s6 =	smov.u32 s7;
	s7 =	sadd.s32 $0x1, s7  }
0x172: {  	p1 =	sne.s32 s2, s7;
	v1 =	vld.msk @!p0 [tilespmem:s5+$0x0], $0x1;
	_ =	sdelay $0x4  }
0x173: {  	(v2sf) =	vpush @!p0 v1, $0x0;
	_ =	sdelay $0xe  }
.Ltmp28:
0x174: {  	s8 =	spop @!p0 (v2sf);
	(pc) =	sbr.rel @p1 .LBB2_33-.Ltmp28, $4  }
0x175: {  	p2 =	seq.s32 @!p0 s4, s8  }
0x176: {  	p2 =	por !p2, p0  }
0x177: {  	s6 =	simm.s32 @p2 $0xFFFFFFFF  }
0x178: {  	s6 =	smov.u32 @p0 s0  }
.LBB2_34:
0x179: {  	p0 =	seq.s32 s6, $0xFFFFFFFF  }
.Ltmp29:
0x17a: {  	_ = 	snop;
	(pc) =	sbr.rel @p0 .LBB2_36-.Ltmp29, $1  }
0x17b: {  	_ =	sdelay $0x3  }
0x17c: {  	s0 =	sshll.u32 s3, $0x6  }
0x17d: {  	s0 =	sand.u32 $0x3FFFFFC0, s0  }
0x17e: {  	v0 =	vld [tilespmem:s0+$0xA138];
	_ =	sdelay $0x2  }
0x17f: {  	s4 =	sshll.u32 s6, $0x8  }
0x180: {  	s4 =	sshra.s32 s4, $0x2  }
0x181: {  	[tilespmem:s4+$0xA138] =	vst.add.f32.msk $0xffff, v0  }
0x182: {  	v0 =	vld [tilespmem:s0+$0xA148];
	_ =	sdelay $0x4  }
0x183: {  	[tilespmem:s4+$0xA148] =	vst.add.f32.msk $0xffff, v0  }
0x184: {  	v0 =	vld [tilespmem:s0+$0xA158];
	_ =	sdelay $0x4  }
0x185: {  	[tilespmem:s4+$0xA158] =	vst.add.f32.msk $0xffff, v0  }
0x186: {  	v0 =	vld [tilespmem:s0+$0xA168]  }
.Ltmp30:
0x187: {  	_ = 	snop;
	(pc) =	sbr.rel .LBB2_37-.Ltmp30, $2  }
0x188: {  	_ =	sdelay $0x2  }
0x189: {  	[tilespmem:s4+$0xA168] =	vst.add.f32.msk $0xffff, v0  }
.LBB2_38:
0x18a: {  	p0 =	slt.s32 s2, $0x1  }
.Ltmp31:
0x18b: {  	_ = 	snop;
	(pc) =	sbr.rel @p0 .LBB2_42-.Ltmp31, $3  }
0x18c: {  	_ =	sdelay $0x1  }
0x18d: {  	s0 =	simm.s32 $0x6  }
0x18e: {  	s3 =	simm.s32 $0x0;
	[sflag:s0] =	ssyncpa.u1 $0x1  }
0x18f: {  	s0 =	simm.s32 $0xA118  }
0x190: {  	v0 =	vld.msk [tilespmem:s0+$0x0], $0x1;
	_ =	sdelay $0x4  }
0x191: {  	(v2sf) =	vpush v0, $0x0;
	_ =	sdelay $0xe  }
0x192: {  	s2 =	sadd.s32 $0xFFFFFFFF, s2;
	s0 =	spop (v2sf)  }
0x193: {  	p1 =	sne.s32 s2, $0x0;
	p0 =	sgt.u32 s0, $0x270F8  }
.Ltmp32:
0x194: {  	s5 =	sand.u32 @!p0 $0x3FFF8, s0;
	(pc) =	sbr.rel @!p1 .LBB2_41-.Ltmp32, $4  }
0x195: {  	s4 =	simm.s32 $0xA138;
	s0 =	sand.u32 @!p0 $0x7, s0;
	s5 =	sadd.s32 @!p0 s1, s5  }
0x196: {  	[hbm4b:s5+s0] =	stream.linear.scatter @!p0 [tilespmem:s4], [sflag:$0x5], $0x40, $0x38;
	[tilespmem:$0x1EF78] =	vst v63  }
0x197: {  	s0 =	simm.s32 $0x0  }
0x198: {  	s5 =	simm.s32 $0xA119;
	s0 =	simm.s32 @!p0 $0x100  }
.LBB2_40:
0x199: {  	v0 =	vld.msk [tilespmem:s5+$0x0], $0x1;
	s2 =	sadd.s32 $0xFFFFFFFF, s2;
	s3 =	sadd.s32 s3, s0  }
0x19a: {  	p0 =	sne.s32 s2, $0x0;
	_ =	sdelay $0x3  }
0x19b: {  	(v2sf) =	vpush v0, $0x0;
	_ =	sdelay $0xe  }
.Ltmp33:
0x19c: {  	s6 =	spop (v2sf);
	(pc) =	sbr.rel @p0 .LBB2_40-.Ltmp33, $4  }
0x19d: {  	s0 =	simm.s32 $0x0;
	p1 =	sgt.u32 s6, $0x270F8  }
0x19e: {  	s4 =	sadd.s32 $0x40, s4;
	s0 =	simm.s32 @!p1 $0x100;
	s7 =	sand.u32 @!p1 $0x3FFF8, s6  }
0x19f: {  	s5 =	sadd.s32 $0x1, s5;
	s6 =	sand.u32 @!p1 $0x7, s6;
	s7 =	sadd.s32 @!p1 s1, s7  }
0x1a0: {  	[hbm4b:s7+s6] =	stream.linear.scatter @!p1 [tilespmem:s4], [sflag:$0x5], $0x40, $0x38;
	[tilespmem:$0x1EF78] =	vst v63  }
.LBB2_41:
0x1a1: {  	s0 =	sadd.s32 s3, s0  }
0x1a2: {  	s3 =	sshrl.u32 s0, $0x2  }
.LBB2_42:
0x1a3: {  	s0 =	simm.s32 $0x5  }
0x1a4: {  	_ =	swait.ge [sflag:s0], s3  }
0x1a5: {  	s1 =	ssub.s32 $0x0, s3;
	[sflag:s0] =	ssyncset.done $0x0  }
0x1a6: {  	[sflag:s0] =	ssyncadd.s32 s1  }
0x1a7: {  	[sflag:s0] =	ssyncpa.u1 $0x1  }
0x1a8: {  	s30 =	simm.s32 $0x1;
	_ =	sfence  }
0x1a9: {  	[sflag:s30] =	ssyncpa.u1 $0x1  }
0x1aa: {  	_ =	strace $0x9000004D  }
0x1ab: {  	[bflag:$0x2] =	sbarrier.arrive $0xFFFF  }
0x1ac: {  	s31 =	rddreg [dreg:$0x1]  }
0x1ad: {  	s0 =	sadd.s32 $0x100000, s31  }
0x1ae: {  	[sflag:s0] =	ssyncadd.tile.s32 $0x1;
	_ =	shalt  }
.Lfunc_end2:
_tile_overlayer_lowered:
.L_overlay_start_2:
0x1af: {  	(tag) =	ssettag $0x2  }
0x1b0: {  	s0 =	rddreg [dreg:$0x0];
	s2 =	stileid.u32  }
0x1b1: {  	s1 =	rddreg [dreg:$0x1];
	p0 =	sne.s32 s2, $0x0  }
0x1b2: {  	s3 =	rddreg [dreg:$0x2];
	[bflag:$0x3] =	sbarrier.arrive $0xFFFF;
	s2 =	simm.s32 @!p0 $0x1C01  }
0x1b3: {  	[timem:s3], [sflag:s2] =	dma.local @!p0 [hbm:s0], s1  }
0x1b4: {  	s0 =	simm.s32 @!p0 $0x1  }
0x1b5: {  	_ =	swait.ge @!p0 [sflag:s0], s1  }
0x1b6: {  	s1 =	ssub.s32 @!p0 $0x0, s1;
	[sflag:s0] =	ssyncset.done @!p0 $0x0  }
0x1b7: {  	[sflag:s0] =	ssyncadd.s32 @!p0 s1  }
0x1b8: {  	[bflag:$0x3] =	sbarrier.arrive $0xFFFF  }
0x1b9: {  	_ =	shalt  }

// kernel: scatter_offload_async_start.3
scs
__scs_entry_jumppad:
0x0: {  	(pc) =	sbr.rel $0x88, $3  }
0x1: {  	(tag) =	ssettag $0x0;
	lr =	simm.s32 $0x1  }
0x2: {  	[smem:$0x3F8B] =	sst lr;
	_ =	strace $0xD0000000  }
0x3: {  	_ = 	snop  }
0x4: {  	_ = 	snop  }
0x5: {  	_ = 	snop  }
0x6: {  	_ = 	snop  }
0x7: {  	_ = 	snop  }
__scs_overlays_trampoline_lowered:
0x8: {  	[smem:$0x3F9A] =	sst s0  }
0x9: {  	[smem:$0x3F9B] =	sst s1  }
0xa: {  	[smem:$0x3F9C] =	sst s2  }
0xb: {  	[smem:$0x3F9D] =	sst s3  }
0xc: {  	[smem:$0x3F9E] =	sst s4  }
0xd: {  	[smem:$0x3F9F] =	sst s5  }
0xe: {  	[smem:$0x3FA0] =	sst s6  }
0xf: {  	[smem:$0x3FA1] =	sst s7  }
0x10: {  	[smem:$0x3FA2] =	sst s8  }
0x11: {  	[smem:$0x3FA3] =	sst s9;
	s0 =	simm.s32 @!p0 $0x0  }
0x12: {  	s1 =	sld [smem:$0x3F89];
	s0 =	simm.s32 @p0 $0x1  }
0x13: {  	[smem:$0x3FA4] =	sst s0;
	s0 =	simm.s32 @!p1 $0x0  }
0x14: {  	s2 =	sld [smem:$0x3F88];
	s0 =	simm.s32 @p1 $0x1  }
0x15: {  	[smem:$0x3FA5] =	sst s0;
	s0 =	simm.s32 @!p2 $0x0  }
0x16: {  	s3 =	sld [smem:$0x3FDB];
	s0 =	simm.s32 @p2 $0x1  }
0x17: {  	s4 =	simm.s32 $0x1BF5;
	[smem:$0x3FA7] =	sst s0  }
0x18: {  	s0 =	sld [smem:$0x3F8A];
	_ =	swait.ge [sflag:s4], $0x0  }
0x19: {  	s7 =	sld [smem:$0x3F8B]  }
0x1a: {  	s8 =	sadd.s32 $0xFFFFE003, lr  }
0x1b: {  	s9 =	sadd.s32 $0xFFFFFEF7, lr;
	s5 =	simm.s32 $0xFFFFFFFF;
	p2 =	slt.u32 s8, $0xFFFFF086  }
0x1c: {  	p1 =	slt.u32 s9, $0xF7A;
	s5 =	simm.s32 @!p2 $0x0  }
0x1d: {  	s5 =	simm.s32 @p1 $0x1;
	p0 =	seq.s32 s7, s2  }
0x1e: {  	s7 =	smul.u32 @!p0 $0xF7A, s2;
	p2 =	seq.s32 @!p0 s5, $0x0  }
0x1f: {  	s9 =	smul.u32 $0xF7A, s1;
	s8 =	simm.s32 @!p0 $0x1BF5;
	p2 =	por !p2, p0  }
0x20: {  	[sflag:s8] =	ssyncset.s32 @!p0 $0xFFFFF086;
	s6 =	sadd.s32 @!p0 s3, s7;
	s7 =	simm.s32 @!p0 $0x108  }
0x21: {  	s3 =	sadd.s32 s3, s9;
	s6 =	sadd.s32 @!p0 $0x88, s6;
	s7 =	simm.s32 @p2 $0x1082  }
0x22: {  	[simem:s7], [sflag:s8] =	dma.local @!p0 [hbm:s6], $0xF7A  }
0x23: {  	s9 =	sor.u32 $0xD0000000, s2;
	s6 =	simm.s32 $0x108;
	_ =	swait.ge @!p0 [sflag:s8], $0x0  }
0x24: {  	s3 =	sadd.s32 $0x88, s3;
	s6 =	simm.s32 @!p1 $0x1082;
	[sflag:s4] =	ssyncset.s32 $0xFFFFF086  }
0x25: {  	[simem:s6], [sflag:s4] =	dma.local [hbm:s3], $0xF7A  }
0x26: {  	[smem:$0x3F8B] =	sst s1;
	(tag) =	ssettag s2;
	_ =	strace s9  }
0x27: {  	s1 =	sld [smem:$0x3F9B]  }
0x28: {  	s2 =	sld [smem:$0x3F9C]  }
0x29: {  	s4 =	sld [smem:$0x3F9E]  }
0x2a: {  	p0 =	seq.s32 s5, $0x0;
	s5 =	sld [smem:$0x3F9F]  }
0x2b: {  	s6 =	sld [smem:$0x3FA0]  }
0x2c: {  	s7 =	sld [smem:$0x3FA1]  }
0x2d: {  	s3 =	simm.s32 $0x108;
	s8 =	sld [smem:$0x3FA2]  }
0x2e: {  	s3 =	simm.s32 @!p0 $0x1082;
	s9 =	sld [smem:$0x3FA3]  }
0x2f: {  	lr =	sadd.s32 s0, s3;
	s0 =	sld [smem:$0x3F9A]  }
0x30: {  	s3 =	sld [smem:$0x3F9D]  }
0x31: {  	[smem:$0x3FA6] =	sst s10  }
0x32: {  	s10 =	sld [smem:$0x3FA4];
	_ =	sdelay $0x3  }
0x33: {  	p0 =	seq.s32 s10, $0x1;
	s10 =	sld [smem:$0x3FA6];
	_ =	sdelay $0x3  }
0x34: {  	[smem:$0x3FA6] =	sst s10  }
0x35: {  	s10 =	sld [smem:$0x3FA5];
	_ =	sdelay $0x3  }
0x36: {  	p1 =	seq.s32 s10, $0x1;
	s10 =	sld [smem:$0x3FA6];
	_ =	sdelay $0x3  }
0x37: {  	[smem:$0x3FA6] =	sst s10  }
0x38: {  	s10 =	sld [smem:$0x3FA7]  }
0x39: {  	_ = 	snop;
	(pc) =	sbr.ind lr, $3  }
0x3a: {  	_ = 	snop  }
0x3b: {  	_ = 	snop  }
0x3c: {  	p2 =	seq.s32 s10, $0x1;
	s10 =	sld [smem:$0x3FA6]  }
0x3d: {  	_ =	shalt  }
0x3e: {  	_ =	shalt  }
0x3f: {  	_ =	shalt  }
0x40: {  	_ =	shalt  }
0x41: {  	_ =	shalt  }
0x42: {  	_ =	shalt  }
0x43: {  	_ =	shalt  }
0x44: {  	_ =	shalt  }
0x45: {  	_ =	shalt  }
0x46: {  	_ =	shalt  }
0x47: {  	_ =	shalt  }
0x48: {  	_ =	shalt  }
0x49: {  	_ =	shalt  }
0x4a: {  	_ =	shalt  }
0x4b: {  	_ =	shalt  }
0x4c: {  	_ =	shalt  }
0x4d: {  	_ =	shalt  }
0x4e: {  	_ =	shalt  }
0x4f: {  	_ =	shalt  }
0x50: {  	_ =	shalt  }
0x51: {  	_ =	shalt  }
0x52: {  	_ =	shalt  }
0x53: {  	_ =	shalt  }
0x54: {  	_ =	shalt  }
0x55: {  	_ =	shalt  }
0x56: {  	_ =	shalt  }
0x57: {  	_ =	shalt  }
0x58: {  	_ =	shalt  }
0x59: {  	_ =	shalt  }
0x5a: {  	_ =	shalt  }
0x5b: {  	_ =	shalt  }
0x5c: {  	_ =	shalt  }
0x5d: {  	_ =	shalt  }
0x5e: {  	_ =	shalt  }
0x5f: {  	_ =	shalt  }
0x60: {  	_ =	shalt  }
0x61: {  	_ =	shalt  }
0x62: {  	_ =	shalt  }
0x63: {  	_ =	shalt  }
0x64: {  	_ =	shalt  }
0x65: {  	_ =	shalt  }
0x66: {  	_ =	shalt  }
0x67: {  	_ =	shalt  }
0x68: {  	_ =	shalt  }
0x69: {  	_ =	shalt  }
0x6a: {  	_ =	shalt  }
0x6b: {  	_ =	shalt  }
0x6c: {  	_ =	shalt  }
0x6d: {  	_ =	shalt  }
0x6e: {  	_ =	shalt  }
0x6f: {  	_ =	shalt  }
0x70: {  	_ =	shalt  }
0x71: {  	_ =	shalt  }
0x72: {  	_ =	shalt  }
0x73: {  	_ =	shalt  }
0x74: {  	_ =	shalt  }
0x75: {  	_ =	shalt  }
0x76: {  	_ =	shalt  }
0x77: {  	_ =	shalt  }
0x78: {  	_ =	shalt  }
0x79: {  	_ =	shalt  }
0x7a: {  	_ =	shalt  }
0x7b: {  	_ =	shalt  }
0x7c: {  	_ =	shalt  }
0x7d: {  	_ =	shalt  }
0x7e: {  	_ =	shalt  }
0x7f: {  	_ =	shalt  }
0x80: {  	_ =	shalt  }
0x81: {  	_ =	shalt  }
0x82: {  	_ =	shalt  }
0x83: {  	_ =	shalt  }
0x84: {  	_ =	shalt  }
0x85: {  	_ =	shalt  }
0x86: {  	_ =	shalt  }
0x87: {  	_ =	shalt  }
.Lfunc_end0:
.L_simem_size_0:
called_computation.3_lowered:
.L_overlay_start_0:
0x88: {  	s0 =	sld [smem:$0x3FD9]  }
0x89: {  	s1 =	sld [smem:$0x3FFE];
	_ =	sdelay $0x3  }
0x8a: {  	s0 =	sadd.s32 s1, s0  }
0x8b: {  	[smem:$0x3FB2] =	sst s0  }
0x8c: {  	_ = 	snop  }
0x8d: {  	(tm) =	ssettm $0x1  }
0x8e: {  	s15 =	sld [smem:$0x3FFB];
	_ =	sdelay $0x3  }
0x8f: {  	_ =	strace s15  }
0x90: {  	s0 =	sld [smem:$0x3FFC];
	_ =	sdelay $0x3  }
0x91: {  	_ =	strace s0  }
0x92: {  	s0 =	sld [smem:$0x3FFD];
	_ =	sdelay $0x3  }
0x93: {  	_ =	strace s0  }
0x94: {  	_ =	strace $0x8FFFFFFF  }
0x95: {  	s16 =	sld [smem:$0x3FDB];
	_ =	sdelay $0x1  }
0x96: {  	s17 =	simm.s32 $_scs_section_size  }
0x97: {  	s2 =	simm.s32 $_size__tile_overlayer_lowered;
	s3 =	simm.s32 $_tile_overlayer_lowered  }
0x98: {  	s20 =	simm.s32 $0x1BFF;
	s19 =	sshll.u32 s3, $0x1;
	s0 =	sadd.s32 s17, s16  }
0x99: {  	s4 =	simm.s32 $0x0;
	s18 =	sshll.u32 s2, $0x1;
	s2 =	sadd.s32 s19, s0  }
0x9a: {  	[timem:s4], [sflag:s20] =	dma.local [hbm:s2], s18  }
0x9b: {  	_ =	swait.ge [sflag:s20], s18  }
0x9c: {  	s1 =	ssub.s32 $0x0, s18;
	[sflag:s20] =	ssyncset.done $0x0  }
0x9d: {  	[sflag:s20] =	ssyncadd.s32 s1;
	_ =	sdelay $0x1  }
0x9e: {  	s21 =	simm.s32 $0x1B8B  }
0x9f: {  	_ =	swait.ge [sflag:s21], $0x1  }
0xa0: {  	[sflag:s21] =	ssyncset.done $0x0  }
0xa1: {  	s23 =	simm.s32 $0x1B8E;
	s22 =	sld [smem:$0x3FFE];
	[sflag:s21] =	ssyncadd.s32 $0xFFFFFFFF  }
0xa2: {  	s24 =	simm.s32 $execute0_lowered;
	[smem:$0x3FD2] =	sst s23  }
0xa3: {  	s2 =	sshll.u32 s24, $0x1;
	_ =	strace $0x8000004F;
	[dreg:$0x1] =	wrdreg $0xFFFFFFFF  }
0xa4: {  	s25 =	simm.s32 $_size_execute0_lowered;
	s0 =	sadd.s32 s0, s2;
	[dreg:$0x0] =	wrdreg $0x0  }
0xa5: {  	s2 =	sshll.u32 s25, $0x1;
	[dreg:$0x2] =	wrdreg s0  }
0xa6: {  	[dreg:$0x3] =	wrdreg s2  }
0xa7: {  	[dreg:$0x4] =	wrdreg $0xC0  }
0xa8: {  	_ =	task [dreg:s4], $0x5FFFF  }
0xa9: {  	[dreg:$0x1] =	wrdreg $0xFFFFFFFF  }
0xaa: {  	[dreg:$0x0] =	wrdreg $0x60  }
0xab: {  	[dreg:$0x2] =	wrdreg s22  }
0xac: {  	[dreg:$0x3] =	wrdreg $0x9  }
0xad: {  	_ =	task.clear_ibuf [dreg:s4], $0x4FFFF;
	_ =	strace $0x9000004F  }
0xae: {  	s26 =	simm.s32 $0x9;
	_ =	strace $0x80000051  }
0xaf: {  	_ =	swait.ge [sflag:s26], $0x1  }
0xb0: {  	[sflag:s26] =	ssyncadd.s32 $0xFFFFFFFF  }
0xb1: {  	_ =	strace $0x90000051  }
0xb2: {  	_ =	sfence  }
0xb3: {  	s28 =	sld [smem:$0x0];
	_ =	sdelay $0x1  }
0xb4: {  	s29 =	srdreg.scid  }
0xb5: {  	s30 =	sshll.u32 s29, $0xD;
	s31 =	sshrl.u32 s29, $0x2  }
0xb6: {  	s1 =	sand.u32 $0x1, s29;
	s2 =	sand.u32 $0x4000, s30;
	s0 =	sadd.s32 s31, s28  }
0xb7: {  	s1 =	sor.u32 s2, s1;
	s0 =	sshll.u32 s0, $0x11  }
0xb8: {  	s0 =	sor.u32 s0, s1  }
0xb9: {  	s0 =	sadd.s32 $0x8F2B, s0  }
0xba: {  	[sflag:s0] =	ssyncadd.remote.s32 $0x1  }
0xbb: {  	_ =	sfence.sel $0xFFFF  }
0xbc: {  	[dreg:$0x0] =	wrdreg $0xFFFFFFFF;
	(pc) =	sbr.abs _section_cstart, $3  }
0xbd: {  	[dreg:$0x1] =	wrdreg $0xFFFFFFFF  }
0xbe: {  	_ =	task.clear_ibuf [dreg:s4], $0x2FFFF;
	_ =	strace $0x9FFFFFFF  }
0xbf: {  	(tm) =	ssettm $0x7FFFFFFF  }
tec
execute0_lowered:
.L_overlay_start_1:
0x0: {  	(tag) =	ssettag $0x1  }
0x1: {  	s0 =	rddreg [dreg:$0x0];
	_ =	strace $0x80000050;
	s1 =	simm.s32 $0x1  }
0x2: {  	s8 =	simm.s32 $0x88;
	v0 =	vimm.s32 $0x0;
	[sflag:s1] =	ssyncpa.u1 $0x0  }
0x3: {  	[tilespmem:s8+$0x30] =	vst v0  }
0x4: {  	s1 =	sadd.s32 $0x35400, s0;
	s3 =	sadd.s32 $0x21000, s0;
	[tilespmem:s8+$0x20] =	vst v0  }
0x5: {  	s4 =	sadd.s32 $0xA5BC00, s0;
	s5 =	sadd.s32 $0x2B200, s0;
	s0 =	simm.s32 $0x40;
	[tilespmem:s8+$0x10] =	vst v0  }
.LBB2_1:
0x6: {  	s0 =	sadd.s32 $0x40, s0  }
0x7: {  	[tilespmem:s8+$0x0] =	vst v0;
	s8 =	sadd.s32 $0x40, s8;
	p0 =	slt.u32 s0, $0x5040  }
.Ltmp0:
0x8: {  	(pc) =	sbr.rel @p0 .LBB2_1-.Ltmp0, $4  }
0x9: {  	_ = 	snop  }
0xa: {  	[tilespmem:s8+$0x30] =	vst v0  }
0xb: {  	[tilespmem:s8+$0x20] =	vst v0  }
0xc: {  	[tilespmem:s8+$0x10] =	vst v0  }
0xd: {  	s9 =	stileid.u32  }
0xe: {  	s0 =	smin.u32 s9, $0x8;
	s2 =	sshll.u32 s9, $0x6  }
0xf: {  	s0 =	sor.u32 s0, s2  }
0x10: {  	p0 =	slt.u32 s9, $0x8;
	s6 =	smul.u32 $0x140, s0;
	s0 =	simm.s32 $0x5140  }
0x11: {  	s0 =	simm.s32 @!p0 $0x5000  }
0x12: {  	s0 =	sadd.s32 s0, s6  }
0x13: {  	s7 =	smin.u32 s0, $0x50910  }
0x14: {  	s0 =	ssub.s32 s7, s6  }
0x15: {  	p0 =	sgt.s32 s0, $0x0  }
0x16: {  	s0 =	simm.s32 @!p0 $0x0  }
0x17: {  	s29 =	simm.s32 $0x2;
	s10 =	simm.s32 $0x7;
	s28 =	smulhi.u32 $0x66666667, s0  }
0x18: {  	s31 =	simm.s32 $0x8;
	s11 =	simm.s32 $0x1;
	s15 =	simm.s32 $0x0  }
0x19: {  	p1 =	por $0x0, $0x0;
	s16 =	simm.s32 $0xA;
	s2 =	sshrl.u32 s28, $0x7  }
0x1a: {  	s20 =	simm.s32 $0x0;
	s17 =	simm.s32 $0x0;
	s30 =	smul.u32 $0x140, s2  }
.Ltmp1:
0x1b: {  	[tilespmem:s8+$0x0] =	vst v0;
	v0 =	vimm.s32 $0xFFFFFFFF;
	s19 =	simm.s32 $0x0;
	[sflag:s29] =	ssyncpa.u1 $0x0;
	(pc) =	sbr.rel .LBB2_3-.Ltmp1, $4  }
0x1c: {  	[tilespmem:$0xA108] =	vst v0;
	[sflag:s10] =	ssyncpa.u1 $0x0;
	p0 =	sne.s32 s0, s30;
	s0 =	simm.s32 $0x1  }
0x1d: {  	s10 =	simm.s32 $0x9;
	[sflag:s31] =	ssyncpa.u1 $0x0;
	s0 =	simm.s32 @!p0 $0x0  }
0x1e: {  	s13 =	sshll.u32 s9, $0x7;
	[sflag:s10] =	ssyncpa.u1 $0x0;
	s12 =	sadd.s32 s0, s2  }
0x1f: {  	v0 =	vlaneseq.u32;
	s18 =	smov.u32 s6;
	p0 =	por $0x1, $0x1;
	s14 =	sadd.s32 $0x1, s12  }
.LBB2_24:
0x20: {  	s0 =	sshrl.u32 s29, $0x2  }
.LBB2_26:
0x21: {  	_ =	swait.ge [sflag:s16], s0  }
0x22: {  	s31 =	ssub.s32 $0x0, s0;
	v1 =	vmov s22;
	vm0 =	veq.s32 v0, $0x0;
	[sflag:s16] =	ssyncset.done $0x0  }
0x23: {  	vm15 =	veq.s32 v0, $0x2;
	v1 =	vsel vm0, s28, v1;
	[sflag:s16] =	ssyncadd.s32 s31  }
0x24: {  	v1 =	vsel vm15, s20, v1;
	[sflag:s16] =	ssyncpa.u1 $0x1  }
0x25: {  	[tilespmem:$0xA108] =	vst v1  }
.LBB2_27:
0x26: {  	s0 =	sadd.s32 $0x140, s18  }
0x27: {  	s2 =	smov.u32 s6;
	p2 =	slt.s32 s0, s7  }
0x28: {  	s2 =	smov.u32 @p2 s0;
	p2 =	sne.s32 s19, s14  }
.Ltmp2:
0x29: {  	_ = 	snop;
	(pc) =	sbr.rel @!p2 .LBB2_28-.Ltmp2, $4  }
0x2a: {  	_ = 	snop  }
0x2b: {  	s20 =	smov.u32 s17  }
0x2c: {  	s31 =	sadd.s32 $0x1, s19;
	s17 =	smov.u32 s18;
	p0 =	por !p0, !p0  }
0x2d: {  	p1 =	por !p1, !p1;
	s19 =	smov.u32 s31;
	s18 =	smov.u32 s2  }
.LBB2_3:
0x2e: {  	p2 =	sge.u32 s19, s12  }
0x2f: {  	s0 =	smulhi.u32 @!p2 $0xAAAAAAAB, s19  }
0x30: {  	s2 =	smov.u32 s18;
	p3 =	sgt.s32 @!p2 s18, $0x507D0  }
0x31: {  	s8 =	sshra.s32 @!p2 s18, $0x1F;
	p3 =	por !p3, p2;
	s0 =	sshrl.u32 @!p2 s0, $0x1  }
0x32: {  	s8 =	sand.u32 @!p2 s8, s18;
	s2 =	simm.s32 @p3 $0x507D0;
	s0 =	smul.u32 @!p2 $0x3, s0  }
0x33: {  	s2 =	ssub.s32 @!p2 s2, s8  }
0x34: {  	s22 =	sadd.s32 $0xFFFFFFFF, s19;
	s2 =	sadd.s32 @!p2 $0xFFFAF830, s2;
	s0 =	ssub.s32 @!p2 s19, s0  }
0x35: {  	s8 =	sshll.u32 @!p2 s2, $0x2;
	p3 =	sgt.s32 @!p2 s2, $0x13F;
	s0 =	smul.u32 @!p2 $0x500, s0  }
0x36: {  	s21 =	sand.u32 @!p2 $0x7, s18;
	s2 =	ssub.s32 @!p2 $0x500, s8;
	p3 =	por !p3, p2  }
0x37: {  	s8 =	sshrl.u32 @!p2 s18, $0x3;
	s2 =	sshrl.u32 @!p2 s2, $0x2;
	s0 =	sshrl.u32 @!p2 s0, $0x2  }
0x38: {  	s8 =	sadd.s32 @!p2 s5, s8;
	s2 =	simm.s32 @!p3 $0x0;
	s0 =	sadd.s32 @!p2 $0xA938, s0  }
0x39: {  	[tilespmem:s0], [sflag:$0x8] =	stream.linear.gather @!p2 [hbm4b:s8+s21], s2, $0x38;
	[tilespmem:$0x1EF78] =	vst v63  }
0x3a: {  	p2 =	sge.u32 s22, s12  }
0x3b: {  	p3 =	sgt.s32 @!p2 s17, $0x507D0  }
0x3c: {  	s0 =	smov.u32 s17;
	s2 =	sshra.s32 @!p2 s17, $0x1F;
	p3 =	por !p3, p2  }
0x3d: {  	s2 =	sand.u32 @!p2 s2, s17;
	s0 =	simm.s32 @p3 $0x507D0  }
0x3e: {  	s0 =	ssub.s32 @!p2 s0, s2  }
0x3f: {  	s0 =	sadd.s32 @!p2 $0xFFFAF830, s0  }
0x40: {  	s2 =	sshll.u32 @!p2 s0, $0x2  }
0x41: {  	p3 =	sgt.s32 @!p2 s0, $0x13F;
	s0 =	ssub.s32 @!p2 $0x500, s2  }
0x42: {  	p3 =	por !p3, p2;
	s0 =	sshrl.u32 @!p2 s0, $0x2  }
0x43: {  	s8 =	simm.s32 @!p2 $0x8;
	s2 =	sand.u32 @!p2 $0x1, s22;
	s0 =	simm.s32 @!p3 $0x0  }
0x44: {  	s2 =	smul.u32 @!p2 $0x500, s2;
	_ =	swait.ge @!p2 [sflag:s8], s0  }
0x45: {  	s21 =	ssub.s32 @!p2 $0x0, s0;
	[sflag:s8] =	ssyncset.done @!p2 $0x0  }
0x46: {  	s2 =	sshrl.u32 @!p2 s2, $0x2;
	[sflag:s8] =	ssyncadd.s32 @!p2 s21;
	s8 =	sshrl.u32 @!p2 s17, $0x3  }
0x47: {  	s2 =	sadd.s32 @!p2 $0xACF8, s2;
	s21 =	sand.u32 @!p2 $0x7, s17;
	s8 =	sadd.s32 @!p2 s3, s8  }
0x48: {  	[tilespmem:s2], [sflag:$0x9] =	stream.linear.gather @!p2 [hbm4b:s8+s21], s0, $0x38;
	[tilespmem:$0x1EF78] =	vst v63  }
0x49: {  	s21 =	ssub.s32 @!p2 $0x50910, s17  }
0x4a: {  	p3 =	slt.s32 @!p2 s21, $0x1  }
0x4b: {  	p3 =	por p2, p3  }
.Ltmp3:
0x4c: {  	_ = 	snop;
	(pc) =	sbr.rel @p3 .LBB2_9-.Ltmp3, $1  }
0x4d: {  	_ =	sdelay $0x3  }
0x4e: {  	s0 =	smulhi.u32 $0xAAAAAAAB, s22;
	_ =	sdelay $0x1  }
0x4f: {  	s0 =	sshrl.u32 s0, $0x1  }
0x50: {  	s0 =	smul.u32 $0x3, s0;
	_ =	sdelay $0x1  }
0x51: {  	s0 =	ssub.s32 s22, s0  }
0x52: {  	s2 =	simm.s32 $0x1;
	s0 =	smul.u32 $0x500, s0  }
.Ltmp4:
0x53: {  	s2 =	simm.s32 @!p0 $0x0;
	(pc) =	sbr.rel .LBB2_6-.Ltmp4, $4  }
0x54: {  	s2 =	smul.u32 $0x28000, s2  }
0x55: {  	p3 =	slt.s32 @!p2 s21, $0x140;
	s0 =	sshrl.u32 s0, $0x2  }
0x56: {  	p2 =	por !p3, p2;
	s2 =	sshrl.u32 s2, $0x2;
	s0 =	sadd.s32 $0xA938, s0  }
0x57: {  	s23 =	simm.s32 $0x0;
	s21 =	simm.s32 @p2 $0x140;
	s22 =	sadd.s32 $0xAF78, s2;
	v1 =	vmov s0  }
.LBB2_5:
0x58: {  	p2 =	sge.s32 s23, s21  }
.Ltmp5:
0x59: {  	_ = 	snop;
	(pc) =	sbr.rel @p2 .LBB2_9-.Ltmp5, $2  }
0x5a: {  	_ =	sdelay $0x2  }
0x5b: {  	s22 =	sadd.s32 $0x800, s22  }
.LBB2_6:
0x5c: {  	p2 =	sle.s32 s21, s23  }
.Ltmp6:
0x5d: {  	_ = 	snop;
	(pc) =	sbr.rel @p2 .LBB2_5-.Ltmp6, $2  }
0x5e: {  	_ =	sdelay $0x2  }
0x5f: {  	s24 =	smov.u32 s23;
	s23 =	sadd.s32 $0x10, s23  }
0x60: {  	s0 =	ssub.s32 s21, s24  }
0x61: {  	p2 =	slt.s32 s0, $0x10  }
0x62: {  	s0 =	simm.s32 @!p2 $0x10  }
0x63: {  	v2 =	vmov s0  }
0x64: {  	vm0 =	vgt.s32 v2, v0;
	_ =	sdelay $0x5  }
0x65: {  	v2 =	vld.idx.msk [tilespmem:v1+s24+$0x0 ss:$0x1], vm0;
	_ =	sdelay $0x2  }
0x66: {  	p2 =	slt.s32 s23, s21;
	s0 =	smov.u32 s21  }
0x67: {  	s2 =	smov.u32 s22;
	s25 =	simm.s32 $0x0;
	s0 =	smov.u32 @p2 s23  }
.LBB2_8:
0x68: {  	(v2sf) =	vpush v2, s25;
	_ =	sdelay $0xc  }
0x69: {  	s25 =	sadd.s32 $0x1, s25  }
0x6a: {  	s31 =	sadd.s32 s25, s24  }
0x6b: {  	p2 =	slt.s32 s31, s0;
	s8 =	spop (v2sf)  }
.Ltmp7:
0x6c: {  	s8 =	sshll.u32 s8, $0x4;
	(pc) =	sbr.rel @p2 .LBB2_8-.Ltmp7, $4  }
0x6d: {  	s8 =	sand.u32 $0x1FFFFFF0, s8  }
0x6e: {  	s8 =	sadd.s32 s4, s8  }
0x6f: {  	[tilespmem:s2], [sflag:$0x7] =	stream.linear.gather [hbm4b:s8+s15], $0x40, $0x38;
	[tilespmem:$0x1EF78] =	vst v63  }
0x70: {  	s2 =	sadd.s32 $0x80, s2  }
.Ltmp8:
0x71: {  	_ = 	snop;
	(pc) =	sbr.rel .LBB2_5-.Ltmp8, $1  }
0x72: {  	_ =	sdelay $0x3  }
.LBB2_9:
0x73: {  	p2 =	slt.u32 s19, $0x2  }
.Ltmp9:
0x74: {  	_ = 	snop;
	(pc) =	sbr.rel @p2 .LBB2_27-.Ltmp9, $1  }
0x75: {  	_ =	sdelay $0x3  }
0x76: {  	p2 =	sgt.s32 s20, $0x507D0;
	s0 =	smov.u32 s20  }
0x77: {  	s2 =	sshra.s32 s20, $0x1F;
	s8 =	ssub.s32 $0x50910, s20;
	s0 =	simm.s32 @!p2 $0x507D0  }
0x78: {  	s2 =	sand.u32 s2, s20;
	p2 =	slt.s32 s8, $0x140;
	s21 =	smov.u32 s8  }
0x79: {  	s0 =	ssub.s32 s0, s2;
	s21 =	simm.s32 @!p2 $0x140  }
0x7a: {  	s0 =	sadd.s32 $0xFFFAF830, s0;
	s26 =	sshll.u32 s21, $0x6  }
0x7b: {  	s9 =	simm.s32 $0x7;
	s29 =	sshll.u32 s0, $0x2;
	s2 =	sand.u32 $0x3FFFFFC0, s26  }
0x7c: {  	p2 =	sgt.s32 s0, $0x13F;
	s30 =	ssub.s32 $0x500, s29;
	_ =	swait.ge [sflag:s9], s2  }
0x7d: {  	s2 =	ssub.s32 $0x0, s2;
	[sflag:s9] =	ssyncset.done $0x0;
	s0 =	sshrl.u32 s30, $0x2  }
0x7e: {  	[sflag:s9] =	ssyncadd.s32 s2;
	s0 =	simm.s32 @p2 $0x0  }
0x7f: {  	_ =	swait.ge [sflag:s10], s0  }
0x80: {  	s0 =	ssub.s32 $0x0, s0;
	[sflag:s10] =	ssyncset.done $0x0  }
0x81: {  	[sflag:s10] =	ssyncadd.s32 s0  }
0x82: {  	v1 =	vld [tilespmem:$0xA108];
	_ =	sdelay $0x4  }
0x83: {  	(v2sf) =	vpush v1, $0x0  }
0x84: {  	(v2sf) =	vpush v1, $0x1  }
0x85: {  	(v2sf) =	vpush v1, $0x2;
	_ =	sdelay $0x3  }
0x86: {  	s0 =	sadd.s32 $0x140, s20  }
0x87: {  	p2 =	slt.s32 s7, s0  }
0x88: {  	s0 =	smov.u32 @p2 s7;
	p2 =	sgt.s32 s8, $0x0  }
0x89: {  	s24 =	ssub.s32 s0, s20;
	s8 =	simm.s32 @!p2 $0x0  }
0x8a: {  	p2 =	slt.s32 s8, s24  }
0x8b: {  	s24 =	smov.u32 @p2 s8  }
0x8c: {  	s23 =	simm.s32 $0x1;
	p2 =	slt.s32 s24, $0x1  }
.Ltmp10:
0x8d: {  	s23 =	simm.s32 @!p1 $0x0;
	(pc) =	sbr.rel @p2 .LBB2_14-.Ltmp10, $4  }
0x8e: {  	s31 =	smul.u32 $0x500, s23  }
0x8f: {  	s25 =	spop (v2sf)  }
0x90: {  	s0 =	sshrl.u32 s31, $0x2;
	s28 =	spop (v2sf)  }
0x91: {  	s21 =	sadd.s32 $0xACF8, s0;
	s20 =	spop (v2sf)  }
0x92: {  	s0 =	smin.u32 s24, $0x10  }
0x93: {  	v1 =	vmov s0  }
0x94: {  	p3 =	sgt.s32 s24, $0x10;
	vm1 =	vgt.u32 v1, v0  }
.Ltmp11:
0x95: {  	_ = 	snop;
	(pc) =	sbr.rel @!p3 .LBB2_13-.Ltmp11, $2  }
0x96: {  	_ =	sdelay $0x2  }
0x97: {  	s26 =	simm.s32 $0x10;
	s29 =	sadd.s32 $0xFFFFFFF0, s24;
	s22 =	smov.u32 s21;
	vm0 =	vmmov vm1  }
.LBB2_12:
0x98: {  	s0 =	smin.u32 s29, $0x10;
	s26 =	sadd.s32 $0x10, s26;
	v1 =	vld.msk [tilespmem:s22+$0x0 ss:$0x1], vm1  }
0x99: {  	v2 =	vmov s0;
	p3 =	slt.s32 s26, s24  }
0x9a: {  	vm1 =	vgt.u32 v2, v0  }
.Ltmp12:
0x9b: {  	(pc) =	sbr.rel @p3 .LBB2_12-.Ltmp12, $3  }
0x9c: {  	_ =	sdelay $0x1  }
0x9d: {  	v1 =	vshll.u32 v1, $0x4  }
0x9e: {  	s29 =	sadd.s32 $0xFFFFFFF0, s29;
	[tilespmem:s22+$0x0] =	vst.msk vm0, v1;
	s22 =	sadd.s32 $0x10, s22;
	vm0 =	vmmov vm1  }
.LBB2_13:
0x9f: {  	_ =	sdelay $0x4  }
0xa0: {  	v1 =	vld.msk [tilespmem:s22+$0x0 ss:$0x1], vm1;
	_ =	sdelay $0x4  }
0xa1: {  	v1 =	vshll.u32 v1, $0x4  }
0xa2: {  	[tilespmem:s22+$0x0] =	vst.msk vm0, v1  }
.LBB2_14:
0xa3: {  	s0 =	sand.u32 $0x1, s19  }
0xa4: {  	s0 =	smul.u32 $0x140, s0  }
0xa5: {  	p3 =	sne.s32 s28, $0xFFFFFFFF  }
0xa6: {  	v1 =	vld.msk @!p3 [tilespmem:s0+$0xACF8], $0x1;
	_ =	sdelay $0x4  }
0xa7: {  	(v2sf) =	vpush @!p3 v1, $0x0;
	_ =	sdelay $0xc  }
.Ltmp13:
0xa8: {  	_ = 	snop;
	(pc) =	sbr.rel @p2 .LBB2_25-.Ltmp13, $4  }
0xa9: {  	_ = 	snop  }
0xaa: {  	s26 =	spop @!p3 (v2sf)  }
0xab: {  	s20 =	simm.s32 @!p3 $0x0;
	s22 =	smov.u32 s26  }
0xac: {  	[sflag:s16] =	ssyncpa.u1 $0x0;
	s26 =	smov.u32 @p3 s25;
	s22 =	smov.u32 @p3 s28  }
0xad: {  	v1 =	vld.msk [tilespmem:s21+$0x0], $0x1;
	_ =	sdelay $0x4  }
0xae: {  	(v2sf) =	vpush v1, $0x0;
	_ =	sdelay $0xe  }
0xaf: {  	s0 =	smul.u32 $0x28000, s23;
	s30 =	spop (v2sf)  }
0xb0: {  	s24 =	ssub.s32 $0x0, s24;
	p2 =	seq.s32 s26, s30  }
0xb1: {  	s28 =	sadd.s32 $0x1, s24;
	s0 =	sshrl.u32 s0, $0x2;
	p3 =	sgt.s32 @!p2 s26, $0x0  }
0xb2: {  	s23 =	sadd.s32 $0xAF98, s0;
	s0 =	smov.u32 s26;
	p3 =	por !p3, p2  }
0xb3: {  	s0 =	simm.s32 @p3 $0x0;
	p3 =	seq.s32 s28, $0x0  }
.Ltmp14:
0xb4: {  	_ = 	snop;
	(pc) =	sbr.rel @p3 .LBB2_17-.Ltmp14, $4  }
0xb5: {  	_ = 	snop  }
0xb6: {  	s25 =	simm.s32 $0x0;
	s31 =	simm.s32 @!p2 $0x1;
	s2 =	smin.u32 @!p2 s0, $0x270F8  }
0xb7: {  	s29 =	sadd.s32 $0x1, s21;
	s31 =	smov.u32 @p2 s25;
	s8 =	sand.u32 @!p2 $0x3FFF8, s2  }
0xb8: {  	s0 =	simm.s32 @!p2 $0x50C8;
	s2 =	sand.u32 @!p2 $0x7, s2;
	s8 =	sadd.s32 @!p2 s1, s8  }
.LBB2_16:
0xb9: {  	s9 =	smov.u32 s31  }
0xba: {  	[tilespmem:s0], [sflag:$0x2] =	stream.linear.gather @!p2 [hbm4b:s8+s2], $0x40, $0x38;
	[tilespmem:$0x1EF78] =	vst v63  }
0xbb: {  	s28 =	sadd.s32 $0x1, s28;
	s2 =	smov.u32 s30;
	v1 =	vld.msk [tilespmem:s29+$0x0], $0x1  }
0xbc: {  	p3 =	seq.s32 s28, $0x0;
	_ =	sdelay $0x3  }
0xbd: {  	(v2sf) =	vpush v1, $0x0;
	_ =	sdelay $0xe  }
0xbe: {  	s30 =	spop (v2sf)  }
0xbf: {  	p2 =	seq.s32 s2, s30  }
0xc0: {  	p4 =	sgt.s32 @!p2 s2, $0x0;
	s0 =	sshll.u32 @!p2 s31, $0x8;
	s31 =	sadd.s32 @!p2 $0x1, s31  }
.Ltmp15:
0xc1: {  	p4 =	por !p4, p2;
	s0 =	sshra.s32 @!p2 s0, $0x2;
	(pc) =	sbr.rel @!p3 .LBB2_16-.Ltmp15, $4  }
0xc2: {  	s31 =	smov.u32 @p2 s9;
	s2 =	simm.s32 @p4 $0x0;
	s0 =	sadd.s32 @!p2 $0x50C8, s0  }
0xc3: {  	s2 =	smin.u32 @!p2 s2, $0x270F8  }
0xc4: {  	s8 =	sand.u32 @!p2 $0x3FFF8, s2;
	s2 =	sand.u32 @!p2 $0x7, s2  }
0xc5: {  	s29 =	sadd.s32 $0x1, s29;
	s8 =	sadd.s32 @!p2 s1, s8  }
.LBB2_17:
0xc6: {  	[tilespmem:s0], [sflag:$0x2] =	stream.linear.gather @!p2 [hbm4b:s8+s2], $0x40, $0x38;
	[tilespmem:$0x1EF78] =	vst v63  }
.Ltmp16:
0xc7: {  	s30 =	sshll.u32 s31, $0x6;
	(pc) =	sbr.rel .LBB2_18-.Ltmp16, $4  }
0xc8: {  	s31 =	simm.s32 $0x2;
	s0 =	sand.u32 $0x3FFFFFC0, s30  }
0xc9: {  	_ =	swait.ge [sflag:s31], s0  }
0xca: {  	s0 =	ssub.s32 $0x0, s0;
	[sflag:s31] =	ssyncset.done $0x0  }
0xcb: {  	s29 =	simm.s32 $0x0;
	[sflag:s31] =	ssyncadd.s32 s0  }
.LBB2_19:
0xcc: {  	v1 =	vld [tilespmem:s23+$0xFFFFFFE0];
	_ =	sdelay $0x4  }
0xcd: {  	[tilespmem:s30+$0x88] =	vst.add.f32.msk $0xffff, v1  }
0xce: {  	v1 =	vld [tilespmem:s23+$0xFFFFFFF0];
	_ =	sdelay $0x4  }
0xcf: {  	[tilespmem:s30+$0x98] =	vst.add.f32.msk $0xffff, v1  }
0xd0: {  	v1 =	vld [tilespmem:s23+$0x0];
	_ =	sdelay $0x4  }
0xd1: {  	[tilespmem:s30+$0xA8] =	vst.add.f32.msk $0xffff, v1  }
0xd2: {  	v1 =	vld [tilespmem:s23+$0x10];
	_ =	sdelay $0x4  }
0xd3: {  	[tilespmem:s30+$0xB8] =	vst.add.f32.msk $0xffff, v1  }
.LBB2_23:
0xd4: {  	s24 =	sadd.s32 $0x1, s24  }
0xd5: {  	p2 =	seq.s32 s24, $0x0  }
.Ltmp17:
0xd6: {  	_ = 	snop;
	(pc) =	sbr.rel @p2 .LBB2_24-.Ltmp17, $2  }
0xd7: {  	_ =	sdelay $0x2  }
0xd8: {  	s23 =	sadd.s32 $0x80, s23;
	s21 =	sadd.s32 $0x1, s21;
	s26 =	smov.u32 s28  }
.LBB2_18:
0xd9: {  	v1 =	vld.msk [tilespmem:s21+$0x0], $0x1;
	_ =	sdelay $0x4  }
0xda: {  	(v2sf) =	vpush v1, $0x0;
	_ =	sdelay $0xe  }
0xdb: {  	s28 =	spop (v2sf)  }
0xdc: {  	p2 =	sne.s32 s26, s28  }
.Ltmp18:
0xdd: {  	_ = 	snop;
	(pc) =	sbr.rel @!p2 .LBB2_19-.Ltmp18, $3  }
0xde: {  	_ =	sdelay $0x1  }
0xdf: {  	s0 =	sshll.u32 s20, $0x8  }
0xe0: {  	s30 =	sshra.s32 s0, $0x2  }
0xe1: {  	p2 =	seq.s32 s26, s22  }
.Ltmp19:
0xe2: {  	_ = 	snop;
	(pc) =	sbr.rel @!p2 .LBB2_21-.Ltmp19, $1  }
0xe3: {  	_ =	sdelay $0x3  }
.Ltmp20:
0xe4: {  	s0 =	sadd.s32 $0x88, s30;
	(pc) =	sbr.rel .LBB2_22-.Ltmp20, $4  }
0xe5: {  	[spmem:s13] =	stream.linear.scatter [tilespmem:s0], [sflag:$0x1], $0x40, $0x38;
	[tilespmem:$0x1EF78] =	vst v63  }
0xe6: {  	_ =	swait.ge [sflag:s11], $0x40  }
0xe7: {  	[sflag:s11] =	ssyncset.done $0x0  }
0xe8: {  	[sflag:s11] =	ssyncadd.s32 $0xFFFFFFC0  }
.LBB2_21:
0xe9: {  	s0 =	sshll.u32 s25, $0x8  }
0xea: {  	s0 =	sshra.s32 s0, $0x2  }
0xeb: {  	v1 =	vld [tilespmem:s0+$0x50C8];
	_ =	sdelay $0x4  }
0xec: {  	[tilespmem:s30+$0x88] =	vst.add.f32.msk $0xffff, v1  }
0xed: {  	v1 =	vld [tilespmem:s0+$0x50D8];
	_ =	sdelay $0x4  }
0xee: {  	[tilespmem:s30+$0x98] =	vst.add.f32.msk $0xffff, v1  }
0xef: {  	v1 =	vld [tilespmem:s0+$0x50E8];
	_ =	sdelay $0x4  }
0xf0: {  	[tilespmem:s30+$0xA8] =	vst.add.f32.msk $0xffff, v1  }
0xf1: {  	v1 =	vld [tilespmem:s0+$0x50F8];
	_ =	sdelay $0x2  }
0xf2: {  	p2 =	sgt.u32 s26, $0x270F8  }
0xf3: {  	s0 =	sand.u32 @!p2 $0x3FFF8, s26  }
0xf4: {  	s2 =	sadd.s32 $0x88, s30;
	s8 =	sand.u32 @!p2 $0x7, s26;
	s0 =	sadd.s32 @!p2 s1, s0;
	[tilespmem:s30+$0xB8] =	vst.add.f32.msk $0xffff, v1  }
0xf5: {  	[hbm4b:s0+s8] =	stream.linear.scatter @!p2 [tilespmem:s2], [sflag:$0xA], $0x40, $0x38;
	[tilespmem:$0x1EF78] =	vst v63  }
0xf6: {  	s0 =	simm.s32 $0x0  }
0xf7: {  	s0 =	simm.s32 @!p2 $0x100  }
0xf8: {  	s29 =	sadd.s32 s0, s29  }
.LBB2_22:
0xf9: {  	s0 =	sadd.s32 $0x1, s20  }
0xfa: {  	s2 =	smulhi.u32 $0xCCCCCCCD, s0;
	_ =	sdelay $0x1  }
0xfb: {  	v1 =	vld [tilespmem:s23+$0xFFFFFFE0];
	s2 =	sshrl.u32 s2, $0x8  }
0xfc: {  	s2 =	smul.u32 $0x140, s2;
	_ =	sdelay $0x1  }
0xfd: {  	s20 =	ssub.s32 s0, s2  }
0xfe: {  	s0 =	sshll.u32 s20, $0x6  }
0xff: {  	[tilespmem:s0+$0x88] =	vst v1  }
0x100: {  	v1 =	vld [tilespmem:s23+$0xFFFFFFF0];
	_ =	sdelay $0x4  }
0x101: {  	[tilespmem:s0+$0x98] =	vst v1  }
0x102: {  	v1 =	vld [tilespmem:s23+$0x0];
	_ =	sdelay $0x4  }
0x103: {  	[tilespmem:s0+$0xA8] =	vst v1  }
0x104: {  	v1 =	vld [tilespmem:s23+$0x10]  }
.Ltmp21:
0x105: {  	_ = 	snop;
	(pc) =	sbr.rel .LBB2_23-.Ltmp21, $2  }
0x106: {  	_ =	sdelay $0x2  }
0x107: {  	s25 =	sadd.s32 $0x1, s25;
	[tilespmem:s0+$0xB8] =	vst v1  }
.LBB2_25:
.Ltmp22:
0x108: {  	(pc) =	sbr.rel .LBB2_26-.Ltmp22, $4  }
0x109: {  	_ = 	snop  }
0x10a: {  	s0 =	simm.s32 $0x2  }
0x10b: {  	_ =	swait.ge [sflag:s0], $0x0  }
0x10c: {  	s28 =	smov.u32 s26;
	[sflag:s0] =	ssyncset.done $0x0;
	s0 =	simm.s32 $0x0  }
.LBB2_28:
0x10d: {  	_ =	sfence.sel $0x180000  }
0x10e: {  	s0 =	simm.s32 $0x7;
	[bflag:$0x0] =	sbarrier.arrive $0xFFFF  }
0x10f: {  	s25 =	simm.s32 $0x8;
	[sflag:s0] =	ssyncpa.u1 $0x1  }
0x110: {  	s26 =	simm.s32 $0x9;
	[sflag:s25] =	ssyncpa.u1 $0x1  }
0x111: {  	s28 =	simm.s32 $0x2;
	[sflag:s26] =	ssyncpa.u1 $0x1  }
0x112: {  	[sflag:s28] =	ssyncpa.u1 $0x1  }
0x113: {  	v0 =	vld [tilespmem:$0xA108];
	_ =	sdelay $0x4  }
0x114: {  	(v2sf) =	vpush v0, $0x0  }
0x115: {  	(v2sf) =	vpush v0, $0x1;
	_ =	sdelay $0x1  }
0x116: {  	(v2sf) =	vpush v0, $0x2;
	_ =	sdelay $0xb  }
0x117: {  	s0 =	spop (v2sf)  }
0x118: {  	s2 =	spop (v2sf)  }
0x119: {  	s3 =	smov.u32 s0;
	p0 =	sne.s32 s0, s2  }
0x11a: {  	s4 =	spop (v2sf);
	s3 =	simm.s32 @!p0 $0xFFFFFFFF  }
0x11b: {  	v2 =	vimm.s32 $0x1;
	v3 =	vlaneseq.u32;
	p0 =	seq.s32 s4, $0xFFFFFFFF;
	v1 =	vmov s3  }
0x11c: {  	s7 =	stileid.u32;
	v0 =	vperm.xlane v0, v2;
	p1 =	sne.s32 @!p0 s0, s2;
	v1 =	vperm.xlane v1, v3  }
0x11d: {  	vm0 =	vcmask $0x3F04;
	s6 =	simm.s32 $0xA108;
	s0 =	simm.s32 @!p0 $0x1;
	p1 =	por !p1, p0  }
0x11e: {  	s3 =	sshll.u32 s7, $0x1;
	s2 =	sshll.u32 @!p0 s4, $0x8;
	s0 =	simm.s32 @p1 $0x0;
	v0 =	vsel vm0, v1, v0  }
0x11f: {  	s5 =	sor.u32 $0x800, s3;
	s2 =	sshra.s32 @!p0 s2, $0x2;
	s0 =	sor.u32 @!p0 s0, s3;
	[tilespmem:$0xA108] =	vst v0  }
0x120: {  	[spmem:s5] =	stream.linear.scatter [tilespmem:s6], [sflag:$0x1], $0x2, $0x38;
	[tilespmem:$0x1EF78] =	vst v63  }
0x121: {  	s2 =	sadd.s32 @!p0 $0x88, s2;
	s0 =	sshll.u32 @!p0 s0, $0x6  }
0x122: {  	[spmem:s0] =	stream.linear.scatter @!p0 [tilespmem:s2], [sflag:$0x1], $0x40, $0x38;
	[tilespmem:$0x1EF78] =	vst v63  }
0x123: {  	s2 =	simm.s32 @!p0 $0x42  }
0x124: {  	s0 =	simm.s32 $0x1;
	s2 =	simm.s32 @p0 $0x2  }
0x125: {  	_ =	swait.ge [sflag:s0], s2  }
0x126: {  	s2 =	ssub.s32 $0x0, s2;
	[sflag:s0] =	ssyncset.done $0x0  }
0x127: {  	[sflag:s0] =	ssyncadd.s32 s2  }
0x128: {  	_ =	sfence.stream.spmem  }
0x129: {  	s29 =	simm.s32 $0x3;
	[bflag:$0x0] =	sbarrier.arrive $0xFFFF  }
0x12a: {  	s30 =	simm.s32 $0x4;
	[sflag:s29] =	ssyncpa.u1 $0x1  }
0x12b: {  	s31 =	simm.s32 $0x3C;
	[sflag:s30] =	ssyncpa.u1 $0x1  }
0x12c: {  	p0 =	sne.s32 s7, $0x0;
	[sflag:s31] =	ssyncpa.u1 $0x1  }
0x12d: {  	_ =	sfence @p0  }
0x12e: {  	[sflag:s0] =	ssyncpa.u1 @p0 $0x1  }
0x12f: {  	_ =	strace @p0 $0x90000050  }
0x130: {  	[bflag:$0x2] =	sbarrier.arrive @p0 $0xFFFF  }
0x131: {  	_ =	shalt @p0  }
.LBB2_29:
0x132: {  	_ =	sfence.stream.spmem;
	s0 =	simm.s32 $0x5  }
0x133: {  	s2 =	simm.s32 $0x800;
	s3 =	simm.s32 $0xA118;
	[sflag:s0] =	ssyncpa.u1 $0x0  }
0x134: {  	[tilespmem:s3], [sflag:$0x5] =	stream.linear.gather [spmem:s2], $0x20, $0x38;
	[tilespmem:$0x1EF78] =	vst v63  }
0x135: {  	s30 =	simm.s32 $0xA138;
	s2 =	simm.s32 $0x0  }
0x136: {  	[tilespmem:s30], [sflag:$0x5] =	stream.linear.gather [spmem:s2], $0x800, $0x38;
	[tilespmem:$0x1EF78] =	vst v63  }
.Ltmp23:
0x137: {  	_ = 	snop;
	(pc) =	sbr.rel .LBB2_30-.Ltmp23, $4  }
0x138: {  	_ =	swait.ge [sflag:s0], $0x820  }
0x139: {  	[sflag:s0] =	ssyncset.done $0x0  }
0x13a: {  	s31 =	simm.s32 $0x6;
	[sflag:s0] =	ssyncadd.s32 $0xFFFFF7E0  }
0x13b: {  	s3 =	simm.s32 $0x0;
	[sflag:s31] =	ssyncpa.u1 $0x0  }
.LBB2_36:
0x13c: {  	p0 =	slt.u32 s4, $0x270F9  }
0x13d: {  	s0 =	sand.u32 @p0 $0x3FFF8, s4  }
0x13e: {  	s4 =	sand.u32 @p0 $0x7, s4;
	s5 =	simm.s32 @p0 $0xA0C8;
	s0 =	sadd.s32 @p0 s1, s0  }
0x13f: {  	[tilespmem:s5], [sflag:$0x6] =	stream.linear.gather @p0 [hbm4b:s0+s4], $0x40, $0x38;
	[tilespmem:$0x1EF78] =	vst v63  }
0x140: {  	s0 =	simm.s32 @p0 $0x6  }
0x141: {  	_ =	swait.ge @p0 [sflag:s0], $0x40  }
0x142: {  	[sflag:s0] =	ssyncset.done @p0 $0x0  }
0x143: {  	[sflag:s0] =	ssyncadd.s32 @p0 $0xFFFFFFC0  }
0x144: {  	v1 =	vld @p0 [tilespmem:$0xA0C8];
	_ =	sdelay $0x2  }
0x145: {  	s0 =	sshll.u32 @p0 s3, $0x8  }
0x146: {  	s4 =	sshrl.u32 @p0 s0, $0x2  }
0x147: {  	[tilespmem:s4+$0xA138] =	vst.add.f32.msk @p0 $0xffff, v1  }
0x148: {  	v1 =	vld @p0 [tilespmem:$0xA0D8];
	_ =	sdelay $0x4  }
0x149: {  	[tilespmem:s4+$0xA148] =	vst.add.f32.msk @p0 $0xffff, v1  }
0x14a: {  	v1 =	vld @p0 [tilespmem:$0xA0E8];
	_ =	sdelay $0x4  }
0x14b: {  	[tilespmem:s4+$0xA158] =	vst.add.f32.msk @p0 $0xffff, v1  }
0x14c: {  	v1 =	vld @p0 [tilespmem:$0xA0F8];
	_ =	sdelay $0x3  }
0x14d: {  	s5 =	sshll.u32 @!p0 s3, $0x8  }
0x14e: {  	s5 =	smov.u32 @p0 s0;
	[tilespmem:s4+$0xA168] =	vst.add.f32.msk @p0 $0xffff, v1  }
0x14f: {  	s0 =	sshrl.u32 s5, $0x2;
	[tilespmem:s2+$0xA118] =	vst.msk $0x1, v0  }
0x150: {  	v0 =	vld [tilespmem:s0+$0xA138];
	_ =	sdelay $0x2  }
0x151: {  	s31 =	sshll.u32 s2, $0x8  }
0x152: {  	s4 =	sshra.s32 s31, $0x2  }
0x153: {  	[tilespmem:s4+$0xA138] =	vst v0  }
0x154: {  	v0 =	vld [tilespmem:s0+$0xA148];
	_ =	sdelay $0x4  }
0x155: {  	[tilespmem:s4+$0xA148] =	vst v0  }
0x156: {  	v0 =	vld [tilespmem:s0+$0xA158];
	_ =	sdelay $0x4  }
0x157: {  	[tilespmem:s4+$0xA158] =	vst v0  }
0x158: {  	v0 =	vld [tilespmem:s0+$0xA168];
	_ =	sdelay $0x4  }
0x159: {  	s2 =	sadd.s32 $0x1, s2;
	[tilespmem:s4+$0xA168] =	vst v0  }
.LBB2_37:
0x15a: {  	s3 =	sadd.s32 $0x1, s3  }
0x15b: {  	p0 =	sne.s32 s3, $0x20  }
.Ltmp24:
0x15c: {  	_ = 	snop;
	(pc) =	sbr.rel @!p0 .LBB2_38-.Ltmp24, $1  }
0x15d: {  	_ =	sdelay $0x3  }
.LBB2_30:
0x15e: {  	v0 =	vld.msk [tilespmem:s3+$0xA118], $0x1;
	_ =	sdelay $0x4  }
0x15f: {  	(v2sf) =	vpush v0, $0x0;
	_ =	sdelay $0xe  }
0x160: {  	s4 =	spop (v2sf)  }
0x161: {  	p0 =	seq.s32 s4, $0xFFFFFFFF  }
.Ltmp25:
0x162: {  	_ = 	snop;
	(pc) =	sbr.rel @p0 .LBB2_37-.Ltmp25, $1  }
0x163: {  	_ =	sdelay $0x3  }
0x164: {  	p0 =	slt.s32 s2, $0x1  }
.Ltmp26:
0x165: {  	_ = 	snop;
	(pc) =	sbr.rel @p0 .LBB2_36-.Ltmp26, $1  }
0x166: {  	_ =	sdelay $0x3  }
0x167: {  	s5 =	simm.s32 $0xA118;
	p0 =	por $0x0, $0x0  }
0x168: {  	v1 =	vld.msk @!p0 [tilespmem:s5+$0x0], $0x1;
	_ =	sdelay $0x4  }
0x169: {  	(v2sf) =	vpush @!p0 v1, $0x0;
	_ =	sdelay $0xd  }
0x16a: {  	p2 =	sne.s32 s2, $0x1  }
.Ltmp27:
0x16b: {  	s0 =	spop @!p0 (v2sf);
	(pc) =	sbr.rel @!p2 .LBB2_34-.Ltmp27, $4  }
0x16c: {  	p1 =	seq.s32 @!p0 s4, s0  }
0x16d: {  	s6 =	simm.s32 $0x0;
	p1 =	por !p1, p0  }
0x16e: {  	s0 =	simm.s32 $0xFFFFFFFF;
	s6 =	simm.s32 @p1 $0xFFFFFFFF  }
0x16f: {  	s7 =	simm.s32 $0x1;
	s6 =	smov.u32 @p0 s0  }
.LBB2_33:
0x170: {  	s0 =	smov.u32 s6;
	p0 =	sne.s32 s6, $0xFFFFFFFF  }
0x171: {  	s5 =	sadd.s32 $0x1, s5;
	s6 =	smov.u32 s7;
	s7 =	sadd.s32 $0x1, s7  }
0x172: {  	p1 =	sne.s32 s2, s7;
	v1 =	vld.msk @!p0 [tilespmem:s5+$0x0], $0x1;
	_ =	sdelay $0x4  }
0x173: {  	(v2sf) =	vpush @!p0 v1, $0x0;
	_ =	sdelay $0xe  }
.Ltmp28:
0x174: {  	s8 =	spop @!p0 (v2sf);
	(pc) =	sbr.rel @p1 .LBB2_33-.Ltmp28, $4  }
0x175: {  	p2 =	seq.s32 @!p0 s4, s8  }
0x176: {  	p2 =	por !p2, p0  }
0x177: {  	s6 =	simm.s32 @p2 $0xFFFFFFFF  }
0x178: {  	s6 =	smov.u32 @p0 s0  }
.LBB2_34:
0x179: {  	p0 =	seq.s32 s6, $0xFFFFFFFF  }
.Ltmp29:
0x17a: {  	_ = 	snop;
	(pc) =	sbr.rel @p0 .LBB2_36-.Ltmp29, $1  }
0x17b: {  	_ =	sdelay $0x3  }
0x17c: {  	s0 =	sshll.u32 s3, $0x6  }
0x17d: {  	s0 =	sand.u32 $0x3FFFFFC0, s0  }
0x17e: {  	v0 =	vld [tilespmem:s0+$0xA138];
	_ =	sdelay $0x2  }
0x17f: {  	s4 =	sshll.u32 s6, $0x8  }
0x180: {  	s4 =	sshra.s32 s4, $0x2  }
0x181: {  	[tilespmem:s4+$0xA138] =	vst.add.f32.msk $0xffff, v0  }
0x182: {  	v0 =	vld [tilespmem:s0+$0xA148];
	_ =	sdelay $0x4  }
0x183: {  	[tilespmem:s4+$0xA148] =	vst.add.f32.msk $0xffff, v0  }
0x184: {  	v0 =	vld [tilespmem:s0+$0xA158];
	_ =	sdelay $0x4  }
0x185: {  	[tilespmem:s4+$0xA158] =	vst.add.f32.msk $0xffff, v0  }
0x186: {  	v0 =	vld [tilespmem:s0+$0xA168]  }
.Ltmp30:
0x187: {  	_ = 	snop;
	(pc) =	sbr.rel .LBB2_37-.Ltmp30, $2  }
0x188: {  	_ =	sdelay $0x2  }
0x189: {  	[tilespmem:s4+$0xA168] =	vst.add.f32.msk $0xffff, v0  }
.LBB2_38:
0x18a: {  	p0 =	slt.s32 s2, $0x1  }
.Ltmp31:
0x18b: {  	_ = 	snop;
	(pc) =	sbr.rel @p0 .LBB2_42-.Ltmp31, $3  }
0x18c: {  	_ =	sdelay $0x1  }
0x18d: {  	s0 =	simm.s32 $0x6  }
0x18e: {  	s3 =	simm.s32 $0x0;
	[sflag:s0] =	ssyncpa.u1 $0x1  }
0x18f: {  	s0 =	simm.s32 $0xA118  }
0x190: {  	v0 =	vld.msk [tilespmem:s0+$0x0], $0x1;
	_ =	sdelay $0x4  }
0x191: {  	(v2sf) =	vpush v0, $0x0;
	_ =	sdelay $0xe  }
0x192: {  	s2 =	sadd.s32 $0xFFFFFFFF, s2;
	s0 =	spop (v2sf)  }
0x193: {  	p1 =	sne.s32 s2, $0x0;
	p0 =	sgt.u32 s0, $0x270F8  }
.Ltmp32:
0x194: {  	s5 =	sand.u32 @!p0 $0x3FFF8, s0;
	(pc) =	sbr.rel @!p1 .LBB2_41-.Ltmp32, $4  }
0x195: {  	s4 =	simm.s32 $0xA138;
	s0 =	sand.u32 @!p0 $0x7, s0;
	s5 =	sadd.s32 @!p0 s1, s5  }
0x196: {  	[hbm4b:s5+s0] =	stream.linear.scatter @!p0 [tilespmem:s4], [sflag:$0x5], $0x40, $0x38;
	[tilespmem:$0x1EF78] =	vst v63  }
0x197: {  	s0 =	simm.s32 $0x0  }
0x198: {  	s5 =	simm.s32 $0xA119;
	s0 =	simm.s32 @!p0 $0x100  }
.LBB2_40:
0x199: {  	v0 =	vld.msk [tilespmem:s5+$0x0], $0x1;
	s2 =	sadd.s32 $0xFFFFFFFF, s2;
	s3 =	sadd.s32 s3, s0  }
0x19a: {  	p0 =	sne.s32 s2, $0x0;
	_ =	sdelay $0x3  }
0x19b: {  	(v2sf) =	vpush v0, $0x0;
	_ =	sdelay $0xe  }
.Ltmp33:
0x19c: {  	s6 =	spop (v2sf);
	(pc) =	sbr.rel @p0 .LBB2_40-.Ltmp33, $4  }
0x19d: {  	s0 =	simm.s32 $0x0;
	p1 =	sgt.u32 s6, $0x270F8  }
0x19e: {  	s4 =	sadd.s32 $0x40, s4;
	s0 =	simm.s32 @!p1 $0x100;
	s7 =	sand.u32 @!p1 $0x3FFF8, s6  }
0x19f: {  	s5 =	sadd.s32 $0x1, s5;
	s6 =	sand.u32 @!p1 $0x7, s6;
	s7 =	sadd.s32 @!p1 s1, s7  }
0x1a0: {  	[hbm4b:s7+s6] =	stream.linear.scatter @!p1 [tilespmem:s4], [sflag:$0x5], $0x40, $0x38;
	[tilespmem:$0x1EF78] =	vst v63  }
.LBB2_41:
0x1a1: {  	s0 =	sadd.s32 s3, s0  }
0x1a2: {  	s3 =	sshrl.u32 s0, $0x2  }
.LBB2_42:
0x1a3: {  	s0 =	simm.s32 $0x5  }
0x1a4: {  	_ =	swait.ge [sflag:s0], s3  }
0x1a5: {  	s1 =	ssub.s32 $0x0, s3;
	[sflag:s0] =	ssyncset.done $0x0  }
0x1a6: {  	[sflag:s0] =	ssyncadd.s32 s1  }
0x1a7: {  	[sflag:s0] =	ssyncpa.u1 $0x1  }
0x1a8: {  	s30 =	simm.s32 $0x1;
	_ =	sfence  }
0x1a9: {  	[sflag:s30] =	ssyncpa.u1 $0x1  }
0x1aa: {  	_ =	strace $0x90000050  }
0x1ab: {  	[bflag:$0x2] =	sbarrier.arrive $0xFFFF  }
0x1ac: {  	s31 =	rddreg [dreg:$0x1]  }
0x1ad: {  	s0 =	sadd.s32 $0x100000, s31  }
0x1ae: {  	[sflag:s0] =	ssyncadd.tile.s32 $0x1;
	_ =	shalt  }
.Lfunc_end2:
_tile_overlayer_lowered:
.L_overlay_start_2:
0x1af: {  	(tag) =	ssettag $0x2  }
0x1b0: {  	s0 =	rddreg [dreg:$0x0];
	s2 =	stileid.u32  }
0x1b1: {  	s1 =	rddreg [dreg:$0x1];
	p0 =	sne.s32 s2, $0x0  }
0x1b2: {  	s3 =	rddreg [dreg:$0x2];
	[bflag:$0x3] =	sbarrier.arrive $0xFFFF;
	s2 =	simm.s32 @!p0 $0x1C01  }
0x1b3: {  	[timem:s3], [sflag:s2] =	dma.local @!p0 [hbm:s0], s1  }
0x1b4: {  	s0 =	simm.s32 @!p0 $0x1  }
0x1b5: {  	_ =	swait.ge @!p0 [sflag:s0], s1  }
0x1b6: {  	s1 =	ssub.s32 @!p0 $0x0, s1;
	[sflag:s0] =	ssyncset.done @!p0 $0x0  }
0x1b7: {  	[sflag:s0] =	ssyncadd.s32 @!p0 s1  }
0x1b8: {  	[bflag:$0x3] =	sbarrier.arrive $0xFFFF  }
0x1b9: {  	_ =	shalt  }

// kernel: scatter_offload_async_start
scs
__scs_entry_jumppad:
0x0: {  	(pc) =	sbr.rel $0x88, $3  }
0x1: {  	(tag) =	ssettag $0x0;
	lr =	simm.s32 $0x1  }
0x2: {  	[smem:$0x3F8B] =	sst lr;
	_ =	strace $0xD0000000  }
0x3: {  	_ = 	snop  }
0x4: {  	_ = 	snop  }
0x5: {  	_ = 	snop  }
0x6: {  	_ = 	snop  }
0x7: {  	_ = 	snop  }
__scs_overlays_trampoline_lowered:
0x8: {  	[smem:$0x3F9A] =	sst s0  }
0x9: {  	[smem:$0x3F9B] =	sst s1  }
0xa: {  	[smem:$0x3F9C] =	sst s2  }
0xb: {  	[smem:$0x3F9D] =	sst s3  }
0xc: {  	[smem:$0x3F9E] =	sst s4  }
0xd: {  	[smem:$0x3F9F] =	sst s5  }
0xe: {  	[smem:$0x3FA0] =	sst s6  }
0xf: {  	[smem:$0x3FA1] =	sst s7  }
0x10: {  	[smem:$0x3FA2] =	sst s8  }
0x11: {  	[smem:$0x3FA3] =	sst s9;
	s0 =	simm.s32 @!p0 $0x0  }
0x12: {  	s1 =	sld [smem:$0x3F89];
	s0 =	simm.s32 @p0 $0x1  }
0x13: {  	[smem:$0x3FA4] =	sst s0;
	s0 =	simm.s32 @!p1 $0x0  }
0x14: {  	s2 =	sld [smem:$0x3F88];
	s0 =	simm.s32 @p1 $0x1  }
0x15: {  	[smem:$0x3FA5] =	sst s0;
	s0 =	simm.s32 @!p2 $0x0  }
0x16: {  	s3 =	sld [smem:$0x3FDB];
	s0 =	simm.s32 @p2 $0x1  }
0x17: {  	s4 =	simm.s32 $0x1BF5;
	[smem:$0x3FA7] =	sst s0  }
0x18: {  	s0 =	sld [smem:$0x3F8A];
	_ =	swait.ge [sflag:s4], $0x0  }
0x19: {  	s7 =	sld [smem:$0x3F8B]  }
0x1a: {  	s8 =	sadd.s32 $0xFFFFE003, lr  }
0x1b: {  	s9 =	sadd.s32 $0xFFFFFEF7, lr;
	s5 =	simm.s32 $0xFFFFFFFF;
	p2 =	slt.u32 s8, $0xFFFFF086  }
0x1c: {  	p1 =	slt.u32 s9, $0xF7A;
	s5 =	simm.s32 @!p2 $0x0  }
0x1d: {  	s5 =	simm.s32 @p1 $0x1;
	p0 =	seq.s32 s7, s2  }
0x1e: {  	s7 =	smul.u32 @!p0 $0xF7A, s2;
	p2 =	seq.s32 @!p0 s5, $0x0  }
0x1f: {  	s9 =	smul.u32 $0xF7A, s1;
	s8 =	simm.s32 @!p0 $0x1BF5;
	p2 =	por !p2, p0  }
0x20: {  	[sflag:s8] =	ssyncset.s32 @!p0 $0xFFFFF086;
	s6 =	sadd.s32 @!p0 s3, s7;
	s7 =	simm.s32 @!p0 $0x108  }
0x21: {  	s3 =	sadd.s32 s3, s9;
	s6 =	sadd.s32 @!p0 $0x88, s6;
	s7 =	simm.s32 @p2 $0x1082  }
0x22: {  	[simem:s7], [sflag:s8] =	dma.local @!p0 [hbm:s6], $0xF7A  }
0x23: {  	s9 =	sor.u32 $0xD0000000, s2;
	s6 =	simm.s32 $0x108;
	_ =	swait.ge @!p0 [sflag:s8], $0x0  }
0x24: {  	s3 =	sadd.s32 $0x88, s3;
	s6 =	simm.s32 @!p1 $0x1082;
	[sflag:s4] =	ssyncset.s32 $0xFFFFF086  }
0x25: {  	[simem:s6], [sflag:s4] =	dma.local [hbm:s3], $0xF7A  }
0x26: {  	[smem:$0x3F8B] =	sst s1;
	(tag) =	ssettag s2;
	_ =	strace s9  }
0x27: {  	s1 =	sld [smem:$0x3F9B]  }
0x28: {  	s2 =	sld [smem:$0x3F9C]  }
0x29: {  	s4 =	sld [smem:$0x3F9E]  }
0x2a: {  	p0 =	seq.s32 s5, $0x0;
	s5 =	sld [smem:$0x3F9F]  }
0x2b: {  	s6 =	sld [smem:$0x3FA0]  }
0x2c: {  	s7 =	sld [smem:$0x3FA1]  }
0x2d: {  	s3 =	simm.s32 $0x108;
	s8 =	sld [smem:$0x3FA2]  }
0x2e: {  	s3 =	simm.s32 @!p0 $0x1082;
	s9 =	sld [smem:$0x3FA3]  }
0x2f: {  	lr =	sadd.s32 s0, s3;
	s0 =	sld [smem:$0x3F9A]  }
0x30: {  	s3 =	sld [smem:$0x3F9D]  }
0x31: {  	[smem:$0x3FA6] =	sst s10  }
0x32: {  	s10 =	sld [smem:$0x3FA4];
	_ =	sdelay $0x3  }
0x33: {  	p0 =	seq.s32 s10, $0x1;
	s10 =	sld [smem:$0x3FA6];
	_ =	sdelay $0x3  }
0x34: {  	[smem:$0x3FA6] =	sst s10  }
0x35: {  	s10 =	sld [smem:$0x3FA5];
	_ =	sdelay $0x3  }
0x36: {  	p1 =	seq.s32 s10, $0x1;
	s10 =	sld [smem:$0x3FA6];
	_ =	sdelay $0x3  }
0x37: {  	[smem:$0x3FA6] =	sst s10  }
0x38: {  	s10 =	sld [smem:$0x3FA7]  }
0x39: {  	_ = 	snop;
	(pc) =	sbr.ind lr, $3  }
0x3a: {  	_ = 	snop  }
0x3b: {  	_ = 	snop  }
0x3c: {  	p2 =	seq.s32 s10, $0x1;
	s10 =	sld [smem:$0x3FA6]  }
0x3d: {  	_ =	shalt  }
0x3e: {  	_ =	shalt  }
0x3f: {  	_ =	shalt  }
0x40: {  	_ =	shalt  }
0x41: {  	_ =	shalt  }
0x42: {  	_ =	shalt  }
0x43: {  	_ =	shalt  }
0x44: {  	_ =	shalt  }
0x45: {  	_ =	shalt  }
0x46: {  	_ =	shalt  }
0x47: {  	_ =	shalt  }
0x48: {  	_ =	shalt  }
0x49: {  	_ =	shalt  }
0x4a: {  	_ =	shalt  }
0x4b: {  	_ =	shalt  }
0x4c: {  	_ =	shalt  }
0x4d: {  	_ =	shalt  }
0x4e: {  	_ =	shalt  }
0x4f: {  	_ =	shalt  }
0x50: {  	_ =	shalt  }
0x51: {  	_ =	shalt  }
0x52: {  	_ =	shalt  }
0x53: {  	_ =	shalt  }
0x54: {  	_ =	shalt  }
0x55: {  	_ =	shalt  }
0x56: {  	_ =	shalt  }
0x57: {  	_ =	shalt  }
0x58: {  	_ =	shalt  }
0x59: {  	_ =	shalt  }
0x5a: {  	_ =	shalt  }
0x5b: {  	_ =	shalt  }
0x5c: {  	_ =	shalt  }
0x5d: {  	_ =	shalt  }
0x5e: {  	_ =	shalt  }
0x5f: {  	_ =	shalt  }
0x60: {  	_ =	shalt  }
0x61: {  	_ =	shalt  }
0x62: {  	_ =	shalt  }
0x63: {  	_ =	shalt  }
0x64: {  	_ =	shalt  }
0x65: {  	_ =	shalt  }
0x66: {  	_ =	shalt  }
0x67: {  	_ =	shalt  }
0x68: {  	_ =	shalt  }
0x69: {  	_ =	shalt  }
0x6a: {  	_ =	shalt  }
0x6b: {  	_ =	shalt  }
0x6c: {  	_ =	shalt  }
0x6d: {  	_ =	shalt  }
0x6e: {  	_ =	shalt  }
0x6f: {  	_ =	shalt  }
0x70: {  	_ =	shalt  }
0x71: {  	_ =	shalt  }
0x72: {  	_ =	shalt  }
0x73: {  	_ =	shalt  }
0x74: {  	_ =	shalt  }
0x75: {  	_ =	shalt  }
0x76: {  	_ =	shalt  }
0x77: {  	_ =	shalt  }
0x78: {  	_ =	shalt  }
0x79: {  	_ =	shalt  }
0x7a: {  	_ =	shalt  }
0x7b: {  	_ =	shalt  }
0x7c: {  	_ =	shalt  }
0x7d: {  	_ =	shalt  }
0x7e: {  	_ =	shalt  }
0x7f: {  	_ =	shalt  }
0x80: {  	_ =	shalt  }
0x81: {  	_ =	shalt  }
0x82: {  	_ =	shalt  }
0x83: {  	_ =	shalt  }
0x84: {  	_ =	shalt  }
0x85: {  	_ =	shalt  }
0x86: {  	_ =	shalt  }
0x87: {  	_ =	shalt  }
.Lfunc_end0:
.L_simem_size_0:
called_computation_lowered:
.L_overlay_start_0:
0x88: {  	s0 =	sld [smem:$0x3FD9]  }
0x89: {  	s1 =	sld [smem:$0x3FFE];
	_ =	sdelay $0x3  }
0x8a: {  	s0 =	sadd.s32 s1, s0  }
0x8b: {  	[smem:$0x3FB2] =	sst s0  }
0x8c: {  	_ = 	snop  }
0x8d: {  	(tm) =	ssettm $0x1  }
0x8e: {  	s15 =	sld [smem:$0x3FFB];
	_ =	sdelay $0x3  }
0x8f: {  	_ =	strace s15  }
0x90: {  	s0 =	sld [smem:$0x3FFC];
	_ =	sdelay $0x3  }
0x91: {  	_ =	strace s0  }
0x92: {  	s0 =	sld [smem:$0x3FFD];
	_ =	sdelay $0x3  }
0x93: {  	_ =	strace s0  }
0x94: {  	_ =	strace $0x8FFFFFFF  }
0x95: {  	s16 =	sld [smem:$0x3FDB];
	_ =	sdelay $0x1  }
0x96: {  	s17 =	simm.s32 $_scs_section_size  }
0x97: {  	s2 =	simm.s32 $_size__tile_overlayer_lowered;
	s3 =	simm.s32 $_tile_overlayer_lowered  }
0x98: {  	s20 =	simm.s32 $0x1BFF;
	s19 =	sshll.u32 s3, $0x1;
	s0 =	sadd.s32 s17, s16  }
0x99: {  	s4 =	simm.s32 $0x0;
	s18 =	sshll.u32 s2, $0x1;
	s2 =	sadd.s32 s19, s0  }
0x9a: {  	[timem:s4], [sflag:s20] =	dma.local [hbm:s2], s18  }
0x9b: {  	_ =	swait.ge [sflag:s20], s18  }
0x9c: {  	s1 =	ssub.s32 $0x0, s18;
	[sflag:s20] =	ssyncset.done $0x0  }
0x9d: {  	[sflag:s20] =	ssyncadd.s32 s1;
	_ =	sdelay $0x1  }
0x9e: {  	s21 =	simm.s32 $0x1B8B  }
0x9f: {  	_ =	swait.ge [sflag:s21], $0x1  }
0xa0: {  	[sflag:s21] =	ssyncset.done $0x0  }
0xa1: {  	s23 =	simm.s32 $0x1B8E;
	s22 =	sld [smem:$0x3FFE];
	[sflag:s21] =	ssyncadd.s32 $0xFFFFFFFF  }
0xa2: {  	s24 =	simm.s32 $execute0_lowered;
	[smem:$0x3FD2] =	sst s23  }
0xa3: {  	s2 =	sshll.u32 s24, $0x1;
	_ =	strace $0x80000046;
	[dreg:$0x1] =	wrdreg $0xFFFFFFFF  }
0xa4: {  	s25 =	simm.s32 $_size_execute0_lowered;
	s0 =	sadd.s32 s0, s2;
	[dreg:$0x0] =	wrdreg $0x0  }
0xa5: {  	s2 =	sshll.u32 s25, $0x1;
	[dreg:$0x2] =	wrdreg s0  }
0xa6: {  	[dreg:$0x3] =	wrdreg s2  }
0xa7: {  	[dreg:$0x4] =	wrdreg $0xC0  }
0xa8: {  	_ =	task [dreg:s4], $0x5FFFF  }
0xa9: {  	[dreg:$0x1] =	wrdreg $0xFFFFFFFF  }
0xaa: {  	[dreg:$0x0] =	wrdreg $0x60  }
0xab: {  	[dreg:$0x2] =	wrdreg s22  }
0xac: {  	[dreg:$0x3] =	wrdreg $0x9  }
0xad: {  	_ =	task.clear_ibuf [dreg:s4], $0x4FFFF;
	_ =	strace $0x90000046  }
0xae: {  	s26 =	simm.s32 $0x9;
	_ =	strace $0x80000048  }
0xaf: {  	_ =	swait.ge [sflag:s26], $0x1  }
0xb0: {  	[sflag:s26] =	ssyncadd.s32 $0xFFFFFFFF  }
0xb1: {  	_ =	strace $0x90000048  }
0xb2: {  	_ =	sfence  }
0xb3: {  	s28 =	sld [smem:$0x0];
	_ =	sdelay $0x1  }
0xb4: {  	s29 =	srdreg.scid  }
0xb5: {  	s30 =	sshll.u32 s29, $0xD;
	s31 =	sshrl.u32 s29, $0x2  }
0xb6: {  	s1 =	sand.u32 $0x1, s29;
	s2 =	sand.u32 $0x4000, s30;
	s0 =	sadd.s32 s31, s28  }
0xb7: {  	s1 =	sor.u32 s2, s1;
	s0 =	sshll.u32 s0, $0x11  }
0xb8: {  	s0 =	sor.u32 s0, s1  }
0xb9: {  	s0 =	sadd.s32 $0x8F2B, s0  }
0xba: {  	[sflag:s0] =	ssyncadd.remote.s32 $0x1  }
0xbb: {  	_ =	sfence.sel $0xFFFF  }
0xbc: {  	[dreg:$0x0] =	wrdreg $0xFFFFFFFF;
	(pc) =	sbr.abs _section_cstart, $3  }
0xbd: {  	[dreg:$0x1] =	wrdreg $0xFFFFFFFF  }
0xbe: {  	_ =	task.clear_ibuf [dreg:s4], $0x2FFFF;
	_ =	strace $0x9FFFFFFF  }
0xbf: {  	(tm) =	ssettm $0x7FFFFFFF  }
tec
execute0_lowered:
.L_overlay_start_1:
0x0: {  	(tag) =	ssettag $0x1  }
0x1: {  	s0 =	rddreg [dreg:$0x0]  }
0x2: {  	s6 =	stileid.u32;
	_ =	strace $0x80000047;
	s2 =	simm.s32 $0x1  }
0x3: {  	v1 =	vimm.s32 $0xFFFFFFFF;
	s1 =	smul.u32 $0x3, s6;
	[sflag:s2] =	ssyncpa.u1 $0x0  }
0x4: {  	s3 =	smin.u32 s6, $0x7;
	[tilespmem:$0x10] =	vst v1  }
0x5: {  	v0 =	vimm.f32 $0.0e+00;
	[tilespmem:$0x20] =	vst v1;
	s1 =	sadd.s32 s3, s1  }
0x6: {  	p0 =	slt.u32 s6, $0x7;
	[tilespmem:$0x30] =	vst v0;
	s3 =	smul.u32 $0x1770, s1;
	s1 =	simm.s32 $0x5DC0  }
0x7: {  	[tilespmem:$0x40] =	vst v0;
	s1 =	simm.s32 @!p0 $0x4650  }
0x8: {  	[tilespmem:$0x50] =	vst v0;
	s1 =	sadd.s32 s1, s3  }
0x9: {  	[tilespmem:$0x60] =	vst v1;
	s4 =	smin.u32 s1, $0x50910  }
0xa: {  	s7 =	simm.s32 $0x2;
	[tilespmem:$0x70] =	vst v1;
	s9 =	ssub.s32 s4, s3  }
0xb: {  	s8 =	simm.s32 $0x8;
	s31 =	simm.s32 $0x9;
	[tilespmem:$0x80] =	vst v1;
	p0 =	sgt.s32 s9, $0x0  }
0xc: {  	s16 =	simm.s32 $0x0;
	s17 =	simm.s32 $0xF0;
	v1 =	vimm.s32 $0x0;
	[tilespmem:$0xB0] =	vst v0;
	s9 =	simm.s32 @!p0 $0x0  }
0xd: {  	s18 =	simm.s32 $0xFFFFFFFF;
	s19 =	simm.s32 $0xFFFFD220;
	[tilespmem:$0x90] =	vst v1;
	s5 =	smulhi.u32 $0x57619F1, s9  }
0xe: {  	s20 =	simm.s32 $0xFFFFFFFE;
	[tilespmem:$0xA0] =	vst v1;
	[sflag:s7] =	ssyncpa.u1 $0x0;
	s7 =	simm.s32 $0x7  }
0xf: {  	s21 =	simm.s32 $0xF;
	[sflag:s7] =	ssyncpa.u1 $0x0;
	s10 =	sshrl.u32 s5, $0x7  }
0x10: {  	s25 =	simm.s32 $0x0;
	[sflag:s8] =	ssyncpa.u1 $0x0;
	s11 =	smul.u32 $0x1770, s10  }
0x11: {  	s24 =	simm.s32 $0x0;
	s14 =	sshllo.u32 s6, $0x1;
	[sflag:s31] =	ssyncpa.u1 $0x0  }
.Ltmp0:
0x12: {  	s1 =	sadd.s32 $0x552A00, s0;
	p0 =	sne.s32 s9, s11;
	(pc) =	sbr.rel .LBB2_1-.Ltmp0, $4  }
0x13: {  	s5 =	sadd.s32 $0xCC00, s0;
	s0 =	sadd.s32 $0x16E00, s0;
	s2 =	simm.s32 @!p0 $0x0  }
0x14: {  	s23 =	smov.u32 s3;
	[dreg:$0x2] =	wrdreg s0;
	s9 =	sadd.s32 s2, s10  }
0x15: {  	vm0 =	vmmov $0xffff;
	v2 =	vlaneseq.u32;
	p0 =	por $0x0, $0x0;
	s10 =	sshll.u32 s6, $0x1;
	s11 =	sadd.s32 $0x1, s9  }
0x16: {  	vm1 =	vmxor vm1, vm1;
	vm2 =	vmmov $0x1;
	vm3 =	vcmask $0x3F3C;
	s12 =	sadd.s32 $0x2, s9;
	s13 =	sor.u32 $0x81, s10;
	s15 =	sor.u32 $0x80, s10  }
.LBB2_9:
0x17: {  	p1 =	slt.u32 s24, $0x3  }
0x18: {  	s0 =	simm.s32 @!p1 $0x2  }
0x19: {  	_ =	swait.ge @!p1 [sflag:s0], $0x1770  }
0x1a: {  	[sflag:s0] =	ssyncset.done @!p1 $0x0  }
0x1b: {  	[sflag:s0] =	ssyncadd.s32 @!p1 $0xFFFFE890;
	s0 =	simm.s32 @!p1 $0x9  }
0x1c: {  	_ =	swait.ge @!p1 [sflag:s0], $0x10  }
0x1d: {  	[sflag:s0] =	ssyncset.done @!p1 $0x0  }
0x1e: {  	[sflag:s0] =	ssyncadd.s32 @!p1 $0xFFFFFFF0;
	p1 =	sne.s32 s24, s12  }
.Ltmp1:
0x1f: {  	s2 =	sadd.s32 $0x1770, s23;
	(pc) =	sbr.rel @!p1 .LBB2_10-.Ltmp1, $4  }
0x20: {  	s6 =	smov.u32 s3;
	s31 =	sadd.s32 $0x1, s24;
	s17 =	sadd.s32 $0x1770, s17  }
0x21: {  	s18 =	sadd.s32 $0x1, s18;
	s25 =	smov.u32 s23;
	p2 =	slt.s32 s2, s4  }
0x22: {  	p0 =	por !p0, !p0;
	s19 =	sadd.s32 $0x1770, s19;
	s6 =	smov.u32 @p2 s2  }
0x23: {  	s20 =	sadd.s32 $0x1, s20;
	s23 =	smov.u32 s6;
	s24 =	smov.u32 s31  }
.LBB2_1:
0x24: {  	p1 =	sge.u32 s24, s9  }
0x25: {  	s0 =	smulhi.u32 @!p1 $0xAAAAAAAB, s24;
	_ =	sdelay $0x1  }
0x26: {  	s0 =	sshrl.u32 @!p1 s0, $0x1  }
0x27: {  	s0 =	smul.u32 @!p1 $0x3, s0;
	_ =	sdelay $0x1  }
0x28: {  	s0 =	ssub.s32 @!p1 s24, s0  }
0x29: {  	s0 =	smul.u32 @!p1 $0x5DC0, s0;
	_ =	sdelay $0x1  }
0x2a: {  	s2 =	sshrl.u32 @!p1 s23, $0x3;
	s0 =	sshrl.u32 @!p1 s0, $0x2  }
0x2b: {  	s22 =	sand.u32 @!p1 $0x7, s23;
	s2 =	sadd.s32 @!p1 s5, s2;
	s0 =	sadd.s32 @!p1 $0x100, s0  }
0x2c: {  	[tilespmem:s0], [sflag:$0x7] =	stream.linear.gather @!p1 [hbm4b:s2+s22], $0x1770, $0x38;
	[tilespmem:$0xD410] =	vst v63  }
0x2d: {  	s0 =	sadd.s32 $0xFFFFFFFF, s24  }
0x2e: {  	p1 =	sge.u32 s0, s9  }
.Ltmp2:
0x2f: {  	_ = 	snop;
	(pc) =	sbr.rel @p1 .LBB2_5-.Ltmp2, $1  }
0x30: {  	_ =	sdelay $0x3  }
0x31: {  	s2 =	smulhi.u32 $0xAAAAAAAB, s0;
	_ =	sdelay $0x1  }
0x32: {  	s2 =	sshrl.u32 s2, $0x1  }
0x33: {  	s2 =	smul.u32 $0x3, s2;
	_ =	sdelay $0x1  }
0x34: {  	s2 =	ssub.s32 s0, s2  }
0x35: {  	s2 =	smul.u32 $0x5DC0, s2  }
0x36: {  	_ =	swait.ge [sflag:s7], $0x1770  }
0x37: {  	[sflag:s7] =	ssyncset.done $0x0;
	s2 =	sshrl.u32 s2, $0x2  }
0x38: {  	[sflag:s7] =	ssyncadd.s32 $0xFFFFE890;
	(ifvalue) =	ssetifvalue $0xFFFFFFFF;
	v3 =	vld.msk [tilespmem:s2+$0x100 ss:$0x1], $0xffff;
	_ =	sdelay $0x2  }
0x39: {  	s30 =	smulhi.u32 $0xAAAAAAAB, s18;
	p1 =	sne.s32 s24, $0x1  }
0x3a: {  	v4 =	vimm.s32 @!p1 $0x0  }
0x3b: {  	s2 =	sshrl.u32 s30, $0x1;
	v4 =	vperm.xlane @!p1 v3, v4  }
0x3c: {  	s22 =	sshll.u32 s24, $0x4;
	s2 =	smul.u32 $0xFFFEE6C0, s2;
	vm4 =	vlt.u32 v3, $0x2800  }
0x3d: {  	s22 =	sand.u32 $0x10, s22;
	v3 =	vnsel vm4, $0xFFFFFFFE, v3;
	vm4 =	vlt.u32 @!p1 v4, $0x2800  }
0x3e: {  	s2 =	sshra.s32 s2, $0x2;
	[tilespmem:s22+$0x60] =	vst v3;
	v3 =	vnsel @!p1 vm4, $0xFFFFFFFE, v4  }
0x3f: {  	s28 =	sadd.s32 s2, s17;
	[tilespmem:$0x80] =	vst @!p1 v3  }
0x40: {  	v3 =	vld.msk [tilespmem:s28+$0x0 ss:$0x1], $0xffff;
	_ =	sdelay $0x4  }
0x41: {  	(xrf1) =	vunique.msk.u32 $0xffff, v3;
	_ =	sdelay $0xd  }
0x42: {  	v4 =	vimm.s32 $0xFFFFFFFF;
	v5, _, _ =	vpop (xrf1)  }
0x43: {  	vm5 =	vne.s32 v3, v4;
	vm4 =	veq.s32 v5, v2  }
0x44: {  	vm6 =	vlt.u32 v3, $0x2800;
	vm4 =	vmand vm5, vm4  }
0x45: {  	vm4 =	vmand vm6, vm4  }
0x46: {  	v4 =	vnsel vm4, $0xFFFFFFFF, v3  }
0x47: {  	s31 =	sand.u32 $0x1, s0  }
0x48: {  	s0 =	simm.s32 $0x1770;
	p1 =	seq.s32 s31, $0x1  }
0x49: {  	s0 =	simm.s32 @!p1 $0x0  }
0x4a: {  	s26 =	sadd.s32 $0x5EB0, s0;
	(ifvalue) =	ssetifvalue $0xFFFFFFFF  }
0x4b: {  	v3 =	vperm.xlane v3, v1;
	[tilespmem:s26], [sflag:$0x8] =	stream.indirect_vreg.gather [hbm4b:s1+s16], $0x1, v4, vm0, $0x4038;
	v4 =	vnsel vm6, $0xFFFFFFFE, v4;
	[tilespmem:$0xD410] =	vst v63  }
0x4c: {  	s2 =	simm.s32 $0x0;
	s22 =	sadd.s32 $0xFFFFFFF0, s28;
	[tilespmem:s28+$0x0] =	vst v4  }
.LBB2_3:
0x4d: {  	v4 =	vld.msk [tilespmem:s22+$0x0 ss:$0x1], $0xffff;
	s2 =	sadd.s32 $0x10, s2;
	v5 =	vmov v3;
	s28 =	smov.u32 s22  }
0x4e: {  	p1 =	slt.u32 s2, $0x1760;
	_ =	sdelay $0x4  }
0x4f: {  	v3 =	vperm.xlane v4, v1;
	(xrf1) =	vunique.msk.u32 $0xffff, v4;
	_ =	sdelay $0xd  }
0x50: {  	v6, _, _ =	vpop (xrf1)  }
0x51: {  	vm5 =	vne.s32 v4, v5;
	vm4 =	veq.s32 v6, v2  }
0x52: {  	vm6 =	vlt.u32 v4, $0x2800;
	vm4 =	vmand vm5, vm4  }
0x53: {  	vm4 =	vmand vm6, vm4  }
0x54: {  	v4 =	vnsel vm4, $0xFFFFFFFF, v4  }
.Ltmp3:
0x55: {  	v5 =	vnsel vm6, $0xFFFFFFFE, v4;
	(pc) =	sbr.rel @p1 .LBB2_3-.Ltmp3, $3  }
0x56: {  	_ =	sdelay $0x1  }
0x57: {  	s22 =	sadd.s32 $0xFFFFFFF0, s22;
	s26 =	sadd.s32 $0xFFFFFFF0, s26;
	(ifvalue) =	ssetifvalue $0xFFFFFFFF  }
0x58: {  	[tilespmem:s26], [sflag:$0x8] =	stream.indirect_vreg.gather [hbm4b:s1+s16], $0x1, v4, vm0, $0x4038;
	[tilespmem:s28+$0x0] =	vst v5  }
0x59: {  	s2 =	sshrl.u32 s25, $0x3;
	s6 =	rddreg [dreg:$0x2]  }
0x5a: {  	s0 =	sadd.s32 $0x7630, s0;
	s2 =	sadd.s32 s6, s2  }
0x5b: {  	[tilespmem:s0], [sflag:$0x8] =	stream.linear.gather [hbm:s2], $0x1770, $0x38;
	[tilespmem:$0xD410] =	vst v63  }
.LBB2_5:
0x5c: {  	p1 =	slt.u32 s24, $0x2  }
0x5d: {  	p2 =	sge.u32 @!p1 s24, s12  }
0x5e: {  	p1 =	por p1, p2  }
.Ltmp4:
0x5f: {  	_ = 	snop;
	(pc) =	sbr.rel @p1 .LBB2_9-.Ltmp4, $1  }
0x60: {  	_ =	sdelay $0x3  }
0x61: {  	s0 =	sadd.s32 $0xFFFFFFFE, s24  }
0x62: {  	s2 =	smulhi.u32 $0xAAAAAAAB, s0;
	_ =	sdelay $0x1  }
0x63: {  	s2 =	sshrl.u32 s2, $0x1  }
0x64: {  	s2 =	smul.u32 $0x3, s2;
	_ =	sdelay $0x1  }
0x65: {  	s0 =	ssub.s32 s0, s2  }
0x66: {  	_ =	swait.ge [sflag:s8], $0x2EE0;
	s0 =	smul.u32 $0x1770, s0  }
0x67: {  	p1 =	sne.s32 s24, s11;
	[sflag:s8] =	ssyncset.done $0x0  }
0x68: {  	[sflag:s8] =	ssyncadd.s32 $0xFFFFD120;
	s2 =	sadd.s32 @!p1 $0x186F, s0  }
0x69: {  	[spmem:s13] =	stream.linear.scatter @!p1 [tilespmem:s2], [sflag:$0x1], $0x1, $0x38;
	[tilespmem:$0xD410] =	vst v63  }
0x6a: {  	s2 =	simm.s32 @!p1 $0x1  }
0x6b: {  	_ =	swait.ge @!p1 [sflag:s2], $0x1  }
0x6c: {  	s22 =	sshll.u32 s24, $0x4;
	[sflag:s2] =	ssyncset.done @!p1 $0x0  }
0x6d: {  	s25 =	sand.u32 $0x10, s22;
	[sflag:s2] =	ssyncadd.s32 @!p1 $0xFFFFFFFF  }
0x6e: {  	s2 =	sxor.u32 $0x10, s25;
	v4 =	vld [tilespmem:s25+$0x10]  }
0x6f: {  	v5 =	vld [tilespmem:s2+$0x60]  }
0x70: {  	v3 =	vld [tilespmem:$0x80];
	_ =	sdelay $0x2  }
0x71: {  	(v2sf) =	vpush v4, $0x0  }
0x72: {  	(v2sf) =	vpush v5, $0x0  }
0x73: {  	(v2sf) =	vpush v3, $0x0;
	_ =	sdelay $0xc  }
0x74: {  	s6 =	spop (v2sf)  }
0x75: {  	s28 =	spop (v2sf)  }
0x76: {  	s26 =	spop (v2sf)  }
0x77: {  	p2 =	seq.s32 s6, s28;
	p3 =	seq.s32 s26, s6  }
0x78: {  	p3 =	por p2, p3  }
0x79: {  	s6 =	sand.u32 $0x1, s24;
	v4 =	vpsel p3, $0xFFFFFFFF, v4  }
0x7a: {  	s28 =	smul.u32 $0x1770, s6;
	[tilespmem:s25+$0x10] =	vst.msk $0x1, v4  }
0x7b: {  	v4 =	vld [tilespmem:$0x30]  }
0x7c: {  	v5 =	vld [tilespmem:s28+$0x7630]  }
0x7d: {  	v6 =	vld [tilespmem:s25+$0x40];
	_ =	sdelay $0x3  }
0x7e: {  	vm4 =	vmmov vm1;
	v5 =	vadd.f32 v5, v4  }
0x7f: {  	vm5 =	vmmov vm2;
	vm4 =	vmmov @p2 vm2;
	v4 =	vadd.f32 v6, v4  }
0x80: {  	s22 =	sshll.u32 s6, $0x4;
	vm5 =	vmmov @p3 vm1;
	[tilespmem:s28+$0x7630] =	vst.msk vm4, v5  }
0x81: {  	[tilespmem:s22+$0xD3F0] =	vst.msk vm5, v4  }
0x82: {  	v4 =	vld [tilespmem:s28+$0x5EB0];
	_ =	sdelay $0x3  }
0x83: {  	v5 =	vimm.f32 $0.0e+00  }
0x84: {  	v4 =	vshift.insert v4, v5, s21  }
0x85: {  	s29 =	sor.u32 $0x40, s2  }
0x86: {  	[tilespmem:s29+$0x0] =	vst.msk $0x1, v4  }
0x87: {  	[tilespmem:s28+$0x5EBF] =	vst.msk $0x1, v5  }
0x88: {  	v4 =	vld [tilespmem:s0+$0x1860];
	_ =	sdelay $0x1  }
0x89: {  	s29 =	smulhi.u32 $0xAAAAAAAB, s20;
	s0 =	simm.s32 $0x1  }
0x8a: {  	s0 =	simm.s32 @!p0 $0x0  }
0x8b: {  	s29 =	sshrl.u32 s29, $0x1;
	s0 =	smul.u32 $0x5DC0, s0  }
0x8c: {  	s29 =	smul.u32 $0xFFFEE6C0, s29;
	v4 =	vshift.insert v4, v1, s21  }
0x8d: {  	s0 =	sshrl.u32 s0, $0x2  }
0x8e: {  	s29 =	sshra.s32 s29, $0x2;
	s30 =	sadd.s32 $0x7630, s0;
	[tilespmem:s2+$0x10] =	vst.msk $0x1, v4  }
0x8f: {  	s6 =	sadd.s32 s29, s19;
	v6 =	vld [tilespmem:s30+$0x0]  }
0x90: {  	v7 =	vld [tilespmem:s6+$0x0];
	_ =	sdelay $0x3  }
0x91: {  	v5 =	vadd.f32 v6, v5  }
0x92: {  	vm4 =	vne.s32 v7, $0xFFFFFFFF  }
0x93: {  	(xrf2) =	vadd.seg.scan.f32 vm4, v5;
	_ =	sdelay $0x3  }
0x94: {  	s31 =	sadd.s32 $0x4750, s0;
	v5 =	vperm.xlane v4, v1  }
0x95: {  	v6 =	vld [tilespmem:s31+$0x0]  }
0x96: {  	vm5 =	veq.s32 v7, v3;
	vm6 =	veq.s32 v7, v5  }
0x97: {  	vm7 =	vgt.u32 v7, $0xFFFFFFFD;
	vm6 =	vmor vm6, vm5  }
0x98: {  	vm6 =	vmor vm6, vm7  }
0x99: {  	v9 =	vld [tilespmem:$0xA0];
	v7 =	vsel vm6, $0xFFFFFFFF, v7  }
0x9a: {  	v10 =	vld [tilespmem:$0x90];
	v6 =	vsel vm5, $0x0, v6;
	v8, _, _ =	vpop (xrf2)  }
0x9b: {  	v6 =	vadd.f32 v8, v6  }
0x9c: {  	s0 =	sadd.s32 $0xA510, s0  }
0x9d: {  	vm4 =	vmand vm4, vm3;
	[tilespmem:s0+$0x0] =	vst v6;
	(ifvalue) =	ssetifvalue $0xFFFFFFFF  }
0x9e: {  	vm6 =	veq.s32 v9, $0x1;
	[hbm4b:s1+s16] =	stream.indirect_vreg.scatter [tilespmem:s0], [sflag:$0x2], $0x1, v7, vm0, $0x4038;
	v7 =	vsel vm4, $0x0, v8;
	[tilespmem:$0xD410] =	vst v63  }
0x9f: {  	s29 =	sadd.s32 $0xD3F0, s22;
	s22 =	sadd.s32 $0x10, s6;
	s2 =	simm.s32 $0x0;
	vm4 =	vmor vm6, vm5;
	v6 =	vsel vm5, v8, v10;
	v7 =	vshift.insert v7, v0, s21  }
.LBB2_7:
0xa0: {  	v8 =	vld [tilespmem:s22+$0x0];
	s30 =	sadd.s32 $0x10, s30  }
0xa1: {  	s31 =	sadd.s32 $0x10, s31;
	v9 =	vld [tilespmem:s30+$0x0]  }
0xa2: {  	s2 =	sadd.s32 $0x10, s2;
	v10 =	vld [tilespmem:s31+$0x0]  }
0xa3: {  	p2 =	slt.u32 s2, $0x1760;
	_ =	sdelay $0x2  }
0xa4: {  	v7 =	vadd.f32 v9, v7  }
0xa5: {  	vm5 =	vne.s32 v8, $0xFFFFFFFF  }
0xa6: {  	vm6 =	vmand vm5, vm3;
	(xrf2) =	vadd.seg.scan.f32 vm5, v7;
	_ =	sdelay $0x5  }
0xa7: {  	vm7 =	veq.s32 v8, v5;
	vm5 =	veq.s32 v8, v3  }
0xa8: {  	vm8 =	vgt.u32 v8, $0xFFFFFFFD;
	vm4 =	vmor vm4, vm5;
	vm7 =	vmor vm7, vm5  }
0xa9: {  	vm7 =	vmor vm7, vm8  }
0xaa: {  	v8 =	vsel vm7, $0xFFFFFFFF, v8  }
.Ltmp5:
0xab: {  	v7 =	vsel vm5, $0x0, v10;
	v9, _, _ =	vpop (xrf2);
	(pc) =	sbr.rel @p2 .LBB2_7-.Ltmp5, $4  }
0xac: {  	v6 =	vsel vm5, v9, v6;
	v10 =	vadd.f32 v9, v7;
	v7 =	vsel vm6, $0x0, v9  }
0xad: {  	s0 =	sadd.s32 $0x10, s0;
	v7 =	vshift.insert v7, v0, s21  }
0xae: {  	s22 =	sadd.s32 $0x10, s22;
	[tilespmem:s0+$0x0] =	vst v10;
	(ifvalue) =	ssetifvalue $0xFFFFFFFF  }
0xaf: {  	[hbm4b:s1+s16] =	stream.indirect_vreg.scatter [tilespmem:s0], [sflag:$0x2], $0x1, v8, vm0, $0x4038;
	[tilespmem:$0xD410] =	vst v63  }
0xb0: {  	v3 =	vld [tilespmem:s28+$0xBC70];
	_ =	sdelay $0x4  }
0xb1: {  	v3 =	vshift.insert v3, v0, s21  }
0xb2: {  	s0 =	simm.s32 $0x30  }
0xb3: {  	[tilespmem:s0+$0x0] =	vst.msk $0x1, v3  }
0xb4: {  	v3 =	vsel vm4, $0x1, v1;
	[tilespmem:$0x90] =	vst v6  }
0xb5: {  	s0 =	sadd.s32 @!p1 $0xBC7F, s28;
	[tilespmem:$0xA0] =	vst v3  }
0xb6: {  	[spmem:s14] =	stream.linear.scatter @!p1 [tilespmem:s0], [sflag:$0x1], $0x1, $0x38;
	[tilespmem:$0xD410] =	vst v63  }
0xb7: {  	s0 =	simm.s32 @!p1 $0x1  }
0xb8: {  	v3 =	vmctz.xlane @!p1 vm4;
	_ =	swait.ge @!p1 [sflag:s0], $0x1  }
0xb9: {  	(v2sf) =	vpush @!p1 v4, $0x0  }
0xba: {  	(v2sf) =	vpush @!p1 v3, $0x0;
	_ =	sdelay $0xd  }
0xbb: {  	s2 =	spop @!p1 (v2sf)  }
0xbc: {  	s6 =	spop @!p1 (v2sf)  }
0xbd: {  	p2 =	sne.s32 @!p1 s26, s2;
	p3 =	slt.s32 @!p1 s6, $0xF  }
0xbe: {  	[sflag:s0] =	ssyncset.done @!p1 $0x0;
	p2 =	por p2, p1;
	p3 =	por !p3, p1  }
0xbf: {  	[sflag:s0] =	ssyncadd.s32 @!p1 $0xFFFFFFFF;
	v3 =	vimm.s32 @!p2 $0xFFFFFFFF;
	s6 =	simm.s32 @p3 $0xF  }
0xc0: {  	[tilespmem:$0x80] =	vst @!p2 v3;
	s2 =	sadd.s32 @!p1 $0x90, s6  }
0xc1: {  	[spmem:s10] =	stream.linear.scatter @!p1 [tilespmem:s2], [sflag:$0x1], $0x1, $0x38;
	[tilespmem:$0xD410] =	vst v63  }
0xc2: {  	_ =	swait.ge @!p1 [sflag:s0], $0x1  }
0xc3: {  	[sflag:s0] =	ssyncset.done @!p1 $0x0  }
0xc4: {  	s2 =	simm.s32 @!p1 $0x80;
	[sflag:s0] =	ssyncadd.s32 @!p1 $0xFFFFFFFF  }
0xc5: {  	[spmem:s15] =	stream.linear.scatter @!p1 [tilespmem:s2], [sflag:$0x1], $0x1, $0x38;
	[tilespmem:$0xD410] =	vst v63  }
0xc6: {  	_ =	swait.ge @!p1 [sflag:s0], $0x1  }
0xc7: {  	[sflag:s0] =	ssyncset.done @!p1 $0x0  }
0xc8: {  	[sflag:s0] =	ssyncadd.s32 @!p1 $0xFFFFFFFF;
	(ifvalue) =	ssetifvalue $0xFFFFFFFF;
	v3 =	vld [tilespmem:s25+$0x10];
	_ =	sdelay $0x3  }
.Ltmp6:
0xc9: {  	_ = 	snop;
	(pc) =	sbr.rel .LBB2_9-.Ltmp6, $3  }
0xca: {  	_ =	sdelay $0x1  }
0xcb: {  	(ifvalue) =	ssetifvalue $0xFFFFFFFF  }
0xcc: {  	[hbm4b:s1+s16] =	stream.indirect_vreg.scatter [tilespmem:s29], [sflag:$0x9], $0x1, v3, vm0, $0x4038;
	[tilespmem:$0xD410] =	vst v63  }
.LBB2_10:
0xcd: {  	_ =	sfence.sel $0x180000  }
0xce: {  	s0 =	simm.s32 $0x7;
	[bflag:$0x0] =	sbarrier.arrive $0xFFFF  }
0xcf: {  	s26 =	simm.s32 $0x8;
	[sflag:s0] =	ssyncpa.u1 $0x1  }
0xd0: {  	s28 =	simm.s32 $0x9;
	[sflag:s26] =	ssyncpa.u1 $0x1  }
0xd1: {  	[sflag:s28] =	ssyncpa.u1 $0x1  }
0xd2: {  	_ =	sfence.stream.spmem  }
0xd3: {  	s29 =	simm.s32 $0x3;
	[bflag:$0x0] =	sbarrier.arrive $0xFFFF  }
0xd4: {  	s30 =	simm.s32 $0x4;
	[sflag:s29] =	ssyncpa.u1 $0x1  }
0xd5: {  	s31 =	simm.s32 $0x3C;
	s2 =	stileid.u32;
	[sflag:s30] =	ssyncpa.u1 $0x1  }
0xd6: {  	p0 =	sne.s32 s2, $0x0;
	[sflag:s31] =	ssyncpa.u1 $0x1  }
0xd7: {  	s0 =	simm.s32 @p0 $0x1;
	_ =	sfence @p0  }
0xd8: {  	[sflag:s0] =	ssyncpa.u1 @p0 $0x1;
	s0 =	simm.s32 @p0 $0x2  }
0xd9: {  	[sflag:s0] =	ssyncpa.u1 @p0 $0x1  }
0xda: {  	_ =	strace @p0 $0x90000047  }
0xdb: {  	[bflag:$0x2] =	sbarrier.arrive @p0 $0xFFFF  }
0xdc: {  	_ =	shalt @p0  }
.LBB2_11:
0xdd: {  	_ =	sfence.stream.spmem;
	s0 =	simm.s32 $0x5  }
0xde: {  	s2 =	simm.s32 $0x80;
	s3 =	simm.s32 $0xC0;
	[sflag:s0] =	ssyncpa.u1 $0x0  }
0xdf: {  	[tilespmem:s3], [sflag:$0x5] =	stream.linear.gather [spmem:s2], $0x20, $0x38;
	[tilespmem:$0xD410] =	vst v63  }
0xe0: {  	s2 =	simm.s32 $0x0;
	s3 =	simm.s32 $0xE0  }
0xe1: {  	[tilespmem:s3], [sflag:$0x5] =	stream.linear.gather [spmem:s2], $0x20, $0x38;
	[tilespmem:$0xD410] =	vst v63  }
.Ltmp7:
0xe2: {  	_ = 	snop;
	(pc) =	sbr.rel .LBB2_12-.Ltmp7, $4  }
0xe3: {  	_ =	swait.ge [sflag:s0], $0x40  }
0xe4: {  	[sflag:s0] =	ssyncset.done $0x0  }
0xe5: {  	s31 =	simm.s32 $0x6;
	[sflag:s0] =	ssyncadd.s32 $0xFFFFFFC0  }
0xe6: {  	s4 =	simm.s32 $0x0;
	[sflag:s31] =	ssyncpa.u1 $0x0  }
.LBB2_17:
0xe7: {  	p0 =	sgt.u32 s5, $0x27FF  }
0xe8: {  	s0 =	sshrl.u32 @!p0 s5, $0x3  }
0xe9: {  	s5 =	sand.u32 @!p0 $0x7, s5;
	s6 =	simm.s32 @!p0 $0xB0;
	s0 =	sadd.s32 @!p0 s1, s0  }
0xea: {  	[tilespmem:s6], [sflag:$0x6] =	stream.linear.gather @!p0 [hbm4b:s0+s5], $0x1, $0x38;
	[tilespmem:$0xD410] =	vst v63  }
0xeb: {  	s0 =	simm.s32 @!p0 $0x6  }
0xec: {  	_ =	swait.ge @!p0 [sflag:s0], $0x1  }
0xed: {  	[sflag:s0] =	ssyncset.done @!p0 $0x0  }
0xee: {  	[sflag:s0] =	ssyncadd.s32 @!p0 $0xFFFFFFFF  }
0xef: {  	v2 =	vmov @!p0 s4;
	v1 =	vld.msk @!p0 [tilespmem:$0xB0], $0x1;
	_ =	sdelay $0x3  }
0xf0: {  	s0 =	simm.s32 @!p0 $0xE0  }
0xf1: {  	[tilespmem:v2+s0+$0x0], v1 =	vst.idx.ret.add.f32.msk @!p0 $0x1, v1  }
0xf2: {  	[tilespmem:s2+$0xC0] =	vst.msk $0x1, v0  }
0xf3: {  	v0 =	vld.msk [tilespmem:s4+$0xE0], $0x1;
	_ =	sdelay $0x4  }
0xf4: {  	[tilespmem:s2+$0xE0] =	vst.msk $0x1, v0;
	s2 =	sadd.s32 $0x1, s2  }
.LBB2_19:
0xf5: {  	s4 =	sadd.s32 $0x1, s4  }
0xf6: {  	p0 =	sne.s32 s4, $0x20  }
.Ltmp8:
0xf7: {  	_ = 	snop;
	(pc) =	sbr.rel @!p0 .LBB2_20-.Ltmp8, $1  }
0xf8: {  	_ =	sdelay $0x3  }
.LBB2_12:
0xf9: {  	v0 =	vld.msk [tilespmem:s4+$0xC0], $0x1;
	_ =	sdelay $0x4  }
0xfa: {  	(v2sf) =	vpush v0, $0x0;
	_ =	sdelay $0xe  }
0xfb: {  	s5 =	spop (v2sf)  }
0xfc: {  	p0 =	seq.s32 s5, $0xFFFFFFFF  }
.Ltmp9:
0xfd: {  	_ = 	snop;
	(pc) =	sbr.rel @p0 .LBB2_19-.Ltmp9, $1  }
0xfe: {  	_ =	sdelay $0x3  }
0xff: {  	p0 =	slt.s32 s2, $0x1  }
.Ltmp10:
0x100: {  	_ = 	snop;
	(pc) =	sbr.rel @p0 .LBB2_17-.Ltmp10, $1  }
0x101: {  	_ =	sdelay $0x3  }
0x102: {  	s0 =	simm.s32 $0xC0;
	p0 =	por $0x0, $0x0  }
0x103: {  	v1 =	vld.msk @!p0 [tilespmem:s0+$0x0], $0x1;
	_ =	sdelay $0x4  }
0x104: {  	(v2sf) =	vpush @!p0 v1, $0x0;
	_ =	sdelay $0xd  }
0x105: {  	p2 =	sne.s32 s2, $0x1  }
.Ltmp11:
0x106: {  	s6 =	spop @!p0 (v2sf);
	(pc) =	sbr.rel @!p2 .LBB2_16-.Ltmp11, $4  }
0x107: {  	p1 =	seq.s32 @!p0 s5, s6  }
0x108: {  	s6 =	simm.s32 $0x0;
	p1 =	por !p1, p0  }
0x109: {  	s8 =	simm.s32 $0xFFFFFFFF;
	s6 =	simm.s32 @p1 $0xFFFFFFFF  }
0x10a: {  	s7 =	simm.s32 $0x1;
	s6 =	smov.u32 @p0 s8  }
.LBB2_15:
0x10b: {  	s8 =	smov.u32 s6;
	p0 =	sne.s32 s6, $0xFFFFFFFF  }
0x10c: {  	s0 =	sadd.s32 $0x1, s0;
	s6 =	smov.u32 s7;
	s7 =	sadd.s32 $0x1, s7  }
0x10d: {  	p1 =	sne.s32 s2, s7;
	v1 =	vld.msk @!p0 [tilespmem:s0+$0x0], $0x1;
	_ =	sdelay $0x4  }
0x10e: {  	(v2sf) =	vpush @!p0 v1, $0x0;
	_ =	sdelay $0xe  }
.Ltmp12:
0x10f: {  	s9 =	spop @!p0 (v2sf);
	(pc) =	sbr.rel @p1 .LBB2_15-.Ltmp12, $4  }
0x110: {  	p2 =	seq.s32 @!p0 s5, s9  }
0x111: {  	p2 =	por !p2, p0  }
0x112: {  	s6 =	simm.s32 @p2 $0xFFFFFFFF  }
0x113: {  	s6 =	smov.u32 @p0 s8  }
.LBB2_16:
0x114: {  	p0 =	sne.s32 s6, $0xFFFFFFFF  }
.Ltmp13:
0x115: {  	_ = 	snop;
	(pc) =	sbr.rel @!p0 .LBB2_17-.Ltmp13, $1  }
0x116: {  	_ =	sdelay $0x3  }
0x117: {  	v0 =	vld.msk [tilespmem:s4+$0xE0], $0x1;
	v1 =	vmov s6  }
.Ltmp14:
0x118: {  	_ = 	snop;
	(pc) =	sbr.rel .LBB2_19-.Ltmp14, $2  }
0x119: {  	_ =	sdelay $0x2  }
0x11a: {  	[tilespmem:v1+s3+$0x0], v0 =	vst.idx.ret.add.f32.msk $0x1, v0  }
.LBB2_20:
0x11b: {  	p0 =	slt.s32 s2, $0x1  }
.Ltmp15:
0x11c: {  	_ = 	snop;
	(pc) =	sbr.rel @p0 .LBB2_24-.Ltmp15, $3  }
0x11d: {  	_ =	sdelay $0x1  }
0x11e: {  	s0 =	simm.s32 $0x6  }
0x11f: {  	s3 =	simm.s32 $0x0;
	[sflag:s0] =	ssyncpa.u1 $0x1  }
0x120: {  	s0 =	simm.s32 $0xC0  }
0x121: {  	v0 =	vld.msk [tilespmem:s0+$0x0], $0x1;
	_ =	sdelay $0x4  }
0x122: {  	(v2sf) =	vpush v0, $0x0;
	_ =	sdelay $0xe  }
0x123: {  	s2 =	sadd.s32 $0xFFFFFFFF, s2;
	s4 =	spop (v2sf)  }
0x124: {  	p1 =	sne.s32 s2, $0x0;
	p0 =	sgt.u32 s4, $0x27FF  }
.Ltmp16:
0x125: {  	s5 =	sshrl.u32 @!p0 s4, $0x3;
	(pc) =	sbr.rel @!p1 .LBB2_23-.Ltmp16, $4  }
0x126: {  	s0 =	simm.s32 $0xE0;
	s4 =	sand.u32 @!p0 $0x7, s4;
	s5 =	sadd.s32 @!p0 s1, s5  }
0x127: {  	[hbm4b:s5+s4] =	stream.linear.scatter @!p0 [tilespmem:s0], [sflag:$0x5], $0x1, $0x38;
	[tilespmem:$0xD410] =	vst v63  }
0x128: {  	s5 =	simm.s32 $0x0  }
0x129: {  	s4 =	simm.s32 $0xC1;
	s5 =	simm.s32 @!p0 $0x4  }
.LBB2_22:
0x12a: {  	v0 =	vld.msk [tilespmem:s4+$0x0], $0x1;
	s2 =	sadd.s32 $0xFFFFFFFF, s2;
	s3 =	sadd.s32 s3, s5  }
0x12b: {  	p0 =	sne.s32 s2, $0x0;
	_ =	sdelay $0x3  }
0x12c: {  	(v2sf) =	vpush v0, $0x0;
	_ =	sdelay $0xe  }
.Ltmp17:
0x12d: {  	s6 =	spop (v2sf);
	(pc) =	sbr.rel @p0 .LBB2_22-.Ltmp17, $4  }
0x12e: {  	s5 =	simm.s32 $0x0;
	p1 =	sgt.u32 s6, $0x27FF  }
0x12f: {  	s0 =	sadd.s32 $0x1, s0;
	s5 =	simm.s32 @!p1 $0x4;
	s7 =	sshrl.u32 @!p1 s6, $0x3  }
0x130: {  	s4 =	sadd.s32 $0x1, s4;
	s6 =	sand.u32 @!p1 $0x7, s6;
	s7 =	sadd.s32 @!p1 s1, s7  }
0x131: {  	[hbm4b:s7+s6] =	stream.linear.scatter @!p1 [tilespmem:s0], [sflag:$0x5], $0x1, $0x38;
	[tilespmem:$0xD410] =	vst v63  }
.LBB2_23:
0x132: {  	s0 =	sadd.s32 s3, s5  }
0x133: {  	s3 =	sshrl.u32 s0, $0x2  }
.LBB2_24:
0x134: {  	s0 =	simm.s32 $0x5  }
0x135: {  	_ =	swait.ge [sflag:s0], s3  }
0x136: {  	s1 =	ssub.s32 $0x0, s3;
	[sflag:s0] =	ssyncset.done $0x0  }
0x137: {  	[sflag:s0] =	ssyncadd.s32 s1  }
0x138: {  	[sflag:s0] =	ssyncpa.u1 $0x1  }
0x139: {  	s29 =	simm.s32 $0x1;
	_ =	sfence  }
0x13a: {  	s30 =	simm.s32 $0x2;
	[sflag:s29] =	ssyncpa.u1 $0x1  }
0x13b: {  	[sflag:s30] =	ssyncpa.u1 $0x1  }
0x13c: {  	_ =	strace $0x90000047  }
0x13d: {  	[bflag:$0x2] =	sbarrier.arrive $0xFFFF  }
0x13e: {  	s31 =	rddreg [dreg:$0x1]  }
0x13f: {  	s0 =	sadd.s32 $0x100000, s31  }
0x140: {  	[sflag:s0] =	ssyncadd.tile.s32 $0x1;
	_ =	shalt  }
.Lfunc_end2:
_tile_overlayer_lowered:
.L_overlay_start_2:
0x141: {  	(tag) =	ssettag $0x2  }
0x142: {  	s0 =	rddreg [dreg:$0x0];
	s2 =	stileid.u32  }
0x143: {  	s1 =	rddreg [dreg:$0x1];
	p0 =	sne.s32 s2, $0x0  }
0x144: {  	s3 =	rddreg [dreg:$0x2];
	[bflag:$0x3] =	sbarrier.arrive $0xFFFF;
	s2 =	simm.s32 @!p0 $0x1C01  }
0x145: {  	[timem:s3], [sflag:s2] =	dma.local @!p0 [hbm:s0], s1  }
0x146: {  	s0 =	simm.s32 @!p0 $0x1  }
0x147: {  	_ =	swait.ge @!p0 [sflag:s0], s1  }
0x148: {  	s1 =	ssub.s32 @!p0 $0x0, s1;
	[sflag:s0] =	ssyncset.done @!p0 $0x0  }
0x149: {  	[sflag:s0] =	ssyncadd.s32 @!p0 s1  }
0x14a: {  	[bflag:$0x3] =	sbarrier.arrive $0xFFFF  }
0x14b: {  	_ =	shalt  }

</sc_bundles>
